<compile_context>
chip_gen: v7x
topology: tpu7x:2x2x1
jax: 0.10.2.dev20260603
libtpu: 0.0.44.dev20260713+nightly
codegen_flags: <defaults>
</compile_context>

<pallas_src>
import jax
import jax.numpy as jnp
from jax import lax
from jax.experimental import pallas as pl
from jax.experimental.pallas import tpu as pltpu
from jax.experimental.pallas import tpu_sc as plsc

N = 10000
E = 320000
D = 128

NC = 2
NS = 16
NW = NC * NS
CHUNK = 128
CH_PER_W = 2 * (-(-E // (NW * CHUNK * 2)))
E_PAD = NW * CH_PER_W * CHUNK
HALVES = 2
CPH = CH_PER_W // HALVES
ROWS_PAD = 10240
RPT = ROWS_PAD // NS


def _make_sc_agg(with_counts: bool):
    mesh = plsc.VectorSubcoreMesh(core_axis_name="c", subcore_axis_name="s",
                                  num_cores=NC, num_subcores=NS)
    out_type = [jax.ShapeDtypeStruct((NC, ROWS_PAD, D), jnp.float32)]
    scratch = [
        pltpu.VMEM((CPH, CHUNK), jnp.int32),
        pltpu.VMEM((CPH, CHUNK), jnp.int32),
        pltpu.VMEM((CHUNK, D), jnp.float32),
        pltpu.VMEM((CHUNK, D), jnp.float32),
        pltpu.VMEM_SHARED((ROWS_PAD, D), jnp.float32),
        pltpu.SemaphoreType.DMA,
        pltpu.SemaphoreType.DMA,
    ]
    if with_counts:
        out_type.append(jax.ShapeDtypeStruct((NC, ROWS_PAD), jnp.float32))
        scratch += [
            pltpu.VMEM((CHUNK,), jnp.float32),
            pltpu.VMEM_SHARED((ROWS_PAD,), jnp.float32),
        ]

    def body(feat_hbm, src_hbm, dst_hbm, zf_hbm, zc_hbm, *rest):
        if with_counts:
            (out_hbm, cnt_hbm, src_v, dst_v, rows0, rows1, acc_sh, sem0, sem1,
             ones_v, cnt_sh) = rest
        else:
            out_hbm, src_v, dst_v, rows0, rows1, acc_sh, sem0, sem1 = rest
        cid = lax.axis_index("c")
        sid = lax.axis_index("s")
        wid = cid * NS + sid

        pltpu.sync_copy(zf_hbm.at[cid, pl.ds(sid * RPT, RPT)],
                        acc_sh.at[pl.ds(sid * RPT, RPT)])
        if with_counts:
            pltpu.sync_copy(zc_hbm.at[cid, pl.ds(sid * RPT, RPT)],
                            cnt_sh.at[pl.ds(sid * RPT, RPT)])
            for k in range(CHUNK // 16):
                ones_v[pl.ds(k * 16, 16)] = jnp.ones((16,), jnp.float32)
        plsc.subcore_barrier()

        def step(i, carry):
            j = 2 * i
            pltpu.async_copy(feat_hbm.at[src_v.at[j + 1]], rows1, sem1)
            pltpu.make_async_copy(feat_hbm.at[src_v.at[j]], rows0, sem0).wait()
            pltpu.sync_copy(rows0, acc_sh.at[dst_v.at[j]], add=True)
            if with_counts:
                pltpu.sync_copy(ones_v, cnt_sh.at[dst_v.at[j]], add=True)
            nxt = jnp.minimum(j + 2, CPH - 2)
            pltpu.async_copy(feat_hbm.at[src_v.at[nxt]], rows0, sem0)
            pltpu.make_async_copy(feat_hbm.at[src_v.at[j + 1]], rows1, sem1).wait()
            pltpu.sync_copy(rows1, acc_sh.at[dst_v.at[j + 1]], add=True)
            if with_counts:
                pltpu.sync_copy(ones_v, cnt_sh.at[dst_v.at[j + 1]], add=True)
            return carry

        for half in range(HALVES):
            pltpu.sync_copy(src_hbm.at[wid, pl.ds(half * CPH, CPH)], src_v)
            pltpu.sync_copy(dst_hbm.at[wid, pl.ds(half * CPH, CPH)], dst_v)
            pltpu.async_copy(feat_hbm.at[src_v.at[0]], rows0, sem0)
            lax.fori_loop(0, CPH // 2, step, None)
            pltpu.make_async_copy(feat_hbm.at[src_v.at[0]], rows0, sem0).wait()
        plsc.subcore_barrier()

        pltpu.sync_copy(acc_sh.at[pl.ds(sid * RPT, RPT)],
                        out_hbm.at[cid, pl.ds(sid * RPT, RPT)])
        if with_counts:
            pltpu.sync_copy(cnt_sh.at[pl.ds(sid * RPT, RPT)],
                            cnt_hbm.at[cid, pl.ds(sid * RPT, RPT)])

    return pl.kernel(body, out_type=out_type, mesh=mesh, scratch_types=scratch)


_sc_agg_counts = _make_sc_agg(True)
_sc_agg = _make_sc_agg(False)


R = 1000
_f32 = jnp.float32


def _tc1_body(x_ref, p0_ref, p1_ref, c0_ref, c1_ref,
              wl1t_ref, bl1_ref, wr1t_ref, wlint_ref, blin_ref, out_ref):
    cnt = jnp.maximum(c0_ref[...] + c1_ref[...], 1.0)
    mean = (p0_ref[0] + p1_ref[0]) / cnt
    t = (jnp.dot(mean, wl1t_ref[...], preferred_element_type=_f32)
         + bl1_ref[...]
         + jnp.dot(x_ref[...], wr1t_ref[...], preferred_element_type=_f32))
    nrm = jnp.sqrt(jnp.sum(t * t, axis=1, keepdims=True))
    h1 = t / jnp.maximum(nrm, 1e-12)
    h = jnp.dot(h1, wlint_ref[...], preferred_element_type=_f32) + blin_ref[...]
    out_ref[...] = jnp.maximum(h, 0.0)


def _tc2_body(h_ref, p0_ref, p1_ref, c0_ref, c1_ref,
              wl2t_ref, bl2_ref, wr2t_ref, wlin2t_ref, blin2_ref,
              y_ref, p_ref):
    cnt = jnp.maximum(c0_ref[...] + c1_ref[...], 1.0)
    mean = (p0_ref[0] + p1_ref[0]) / cnt
    t = (jnp.dot(mean, wl2t_ref[...], preferred_element_type=_f32)
         + bl2_ref[...]
         + jnp.dot(h_ref[...], wr2t_ref[...], preferred_element_type=_f32))
    nrm = jnp.sqrt(jnp.sum(t * t, axis=1, keepdims=True))
    y = t / jnp.maximum(nrm, 1e-12)
    y_ref[...] = y
    logits = jnp.dot(y, wlin2t_ref[...], preferred_element_type=_f32) + blin2_ref[...]
    m = jnp.max(logits, axis=1, keepdims=True)
    e = jnp.exp(logits - m)
    p_ref[...] = (e / jnp.sum(e, axis=1, keepdims=True))[:, :2]


_row_spec = pl.BlockSpec((R, D), lambda i: (i, 0))
_agg0_spec = pl.BlockSpec((1, R, D), lambda i: (0, i, 0))
_agg1_spec = pl.BlockSpec((1, R, D), lambda i: (1, i, 0))
_col_spec = pl.BlockSpec((R, 1), lambda i: (i, 0))
_w_spec = pl.BlockSpec((D, D), lambda i: (0, 0))
_b_spec = pl.BlockSpec((1, D), lambda i: (0, 0))

_tc1 = pl.pallas_call(
    _tc1_body,
    grid=(N // R,),
    in_specs=[_row_spec, _agg0_spec, _agg1_spec, _col_spec, _col_spec,
              _w_spec, _b_spec, _w_spec, _w_spec, _b_spec],
    out_specs=_row_spec,
    out_shape=jax.ShapeDtypeStruct((N, D), _f32),
)

_tc2 = pl.pallas_call(
    _tc2_body,
    grid=(N // R,),
    in_specs=[_row_spec, _agg0_spec, _agg1_spec, _col_spec, _col_spec,
              _w_spec, _b_spec, _w_spec, _w_spec, _b_spec],
    out_specs=[_row_spec, pl.BlockSpec((R, 2), lambda i: (i, 0))],
    out_shape=[jax.ShapeDtypeStruct((N, D), _f32),
               jax.ShapeDtypeStruct((N, 2), _f32)],
)


def kernel(x, edge_index, Wl1, bl1, Wr1, Wlin, blin, Wl2, bl2, Wr2, Wlin2, blin2):
    x = x.astype(jnp.float32)
    src = edge_index[0]
    dst = edge_index[1]
    pad = E_PAD - E
    spad = jnp.arange(pad, dtype=jnp.int32) * 37 % N
    srcb = jnp.concatenate([src, spad]).reshape(NW, CH_PER_W, CHUNK)
    dpad = N + (jnp.arange(pad, dtype=jnp.int32) % (ROWS_PAD - N))
    dstb = jnp.concatenate([dst, dpad]).reshape(NW, CH_PER_W, CHUNK)
    zf = jnp.zeros((NC, ROWS_PAD, D), _f32)
    zc = jnp.zeros((NC, ROWS_PAD), _f32)

    agg1, cnt = _sc_agg_counts(x, srcb, dstb, zf, zc)
    c0 = cnt[0, :N, None]
    c1 = cnt[1, :N, None]
    h = _tc1(x, agg1, agg1, c0, c1,
             Wl1.T, bl1[None, :], Wr1.T, Wlin.T, blin[None, :])

    (agg2,) = _sc_agg(h, srcb, dstb, zf, zc)
    wlin2t = jnp.zeros((D, D), _f32).at[:, :2].set(Wlin2.T)
    blin2p = jnp.full((1, D), -1e30, _f32).at[0, :2].set(blin2)
    y, p = _tc2(h, agg2, agg2, c0, c1,
                Wl2.T, bl2[None, :], Wr2.T, wlin2t, blin2p)
    return (p, y)

# --- scband reference (transcript-rebuilt; emitter-appended) ---
"""Pipeline reference for scband-my-gnn-14345190769012 (READ-ONLY COPY).

The authoritative reference and input builder live on the scoring server;
editing this copy changes nothing except your own understanding.
"""

import jax, jax.numpy as jnp
import numpy as np

N = 10000
E = 320000
D = 128
H = 128
O = 128


def _uniform(key, shape, fan_in):
    s = 1.0 / np.sqrt(fan_in)
    return jax.random.uniform(key, shape, minval=-s, maxval=s, dtype=jnp.float32)


def setup_inputs(seed: int = 0) -> dict:
    key = jax.random.key(seed)
    ks = jax.random.split(key, 14)
    x = jax.random.normal(ks[0], (N, D), dtype=jnp.float32)
    edge_index = jax.random.randint(ks[1], (2, E), 0, N, dtype=jnp.int32)
    # SAGEConv1 (lazy in_channels=-1 resolved to D): lin_l (bias) for aggregated msgs, lin_r (no bias) for root
    Wl1 = _uniform(ks[2], (H, D), D)
    bl1 = _uniform(ks[3], (H,), D)
    Wr1 = _uniform(ks[4], (H, D), D)
    # Linear H -> O
    Wlin = _uniform(ks[5], (O, H), H)
    blin = _uniform(ks[6], (O,), H)
    # SAGEConv2 O -> O
    Wl2 = _uniform(ks[7], (O, O), O)
    bl2 = _uniform(ks[8], (O,), O)
    Wr2 = _uniform(ks[9], (O, O), O)
    # Linear2 O -> 2
    Wlin2 = _uniform(ks[10], (2, O), O)
    blin2 = _uniform(ks[11], (2,), O)
    return {"x": x, "edge_index": edge_index, "Wl1": Wl1, "bl1": bl1, "Wr1": Wr1,
            "Wlin": Wlin, "blin": blin, "Wl2": Wl2, "bl2": bl2, "Wr2": Wr2,
            "Wlin2": Wlin2, "blin2": blin2}


def _sage_conv(x, edge_index, Wl, bl, Wr, num_nodes):
    # PyG SAGEConv with aggr='mean', normalize=True
    src = edge_index[0]
    dst = edge_index[1]
    msg = x[src]  # gather source-node features per edge
    agg = jax.ops.segment_sum(msg, dst, num_segments=num_nodes)
    cnt = jax.ops.segment_sum(jnp.ones((edge_index.shape[1],), x.dtype), dst, num_segments=num_nodes)
    mean = agg / jnp.clip(cnt, 1.0)[:, None]
    out = mean @ Wl.T + bl + x @ Wr.T
    nrm = jnp.linalg.norm(out, axis=-1, keepdims=True)
    return out / jnp.maximum(nrm, 1e-12)


def reference(x, edge_index, Wl1, bl1, Wr1, Wlin, blin, Wl2, bl2, Wr2, Wlin2, blin2):
    x = x.astype(jnp.float32)
    h = _sage_conv(x, edge_index, Wl1, bl1, Wr1, N)
    h = h @ Wlin.T + blin
    h = jax.nn.relu(h)
    y = _sage_conv(h, edge_index, Wl2, bl2, Wr2, N)
    logits = y @ Wlin2.T + blin2
    p = jax.nn.softmax(logits, axis=1)
    return (p, y)

if __name__ == "__main__":
    import jax
    _d = setup_inputs()
    print(jax.jit(kernel)(*tuple(_d.values())))

</pallas_src>

<mosaic_0001>
#map = affine_map<(d0, d1) -> (0, 0)>
#map1 = affine_map<(d0, d1) -> (0, 0, 0)>
module attributes {stable_mosaic.version = 14 : i64} {
  func.func @body(%arg0: i32, %arg1: i32, %arg2: memref<10000x128xf32, #tpu.memory_space<hbm>>, %arg3: memref<32x80x128xi32, #tpu.memory_space<hbm>>, %arg4: memref<32x80x128xi32, #tpu.memory_space<hbm>>, %arg5: memref<2x10240x128xf32, #tpu.memory_space<hbm>>, %arg6: memref<2x10240xf32, #tpu.memory_space<hbm>>, %arg7: memref<2x10240x128xf32, #tpu.memory_space<hbm>>, %arg8: memref<2x10240xf32, #tpu.memory_space<hbm>>, %arg9: memref<40x128xi32, #tpu.memory_space<vmem>>, %arg10: memref<40x128xi32, #tpu.memory_space<vmem>>, %arg11: memref<128x128xf32, #tpu.memory_space<vmem>>, %arg12: memref<128x128xf32, #tpu.memory_space<vmem>>, %arg13: memref<10240x128xf32, #tpu.memory_space<vmem_shared>>, %arg14: memref<!tpu.dma_semaphore, #tpu.memory_space<semaphore_mem>>, %arg15: memref<!tpu.dma_semaphore, #tpu.memory_space<semaphore_mem>>, %arg16: memref<128xf32, #tpu.memory_space<vmem>>, %arg17: memref<10240xf32, #tpu.memory_space<vmem_shared>>) attributes {dimension_semantics = [#tpu.dimension_semantics<core_parallel>, #tpu.dimension_semantics<subcore_parallel>], iteration_bounds = array<i64: 2, 16>, scalar_prefetch = 0 : i64, scratch_operands = 9 : i64, tpu.core_type = #tpu.core_type<sc_vector_subcore>, window_params = [{transform_indices = #map}, {transform_indices = #map1}, {transform_indices = #map1}, {transform_indices = #map1}, {transform_indices = #map}, {transform_indices = #map1}, {transform_indices = #map}]} {
    %mul3A = arith.constant 16 : i32
    %mul3A_0 = arith.muli %arg0, %mul3A : i32
    %add3A = arith.addi %mul3A_0, %arg1 : i32
    %mul3A_1 = arith.constant 640 : i32
    %mul3A_2 = arith.muli %arg1, %mul3A_1 : i32
    %mul3A_3 = arith.constant 640 : i32
    %mul3A_4 = arith.muli %arg1, %mul3A_3 : i32
    "tpu.region"() ({
      %run_scoped3A = tpu.sem_alloc : memref<!tpu.dma_semaphore, #tpu.memory_space<semaphore_mem>>
      %dma_start3A_99 = arith.constant 0 : i32
      %dma_start3A_100 = tpu.memref_slice %arg13[%mul3A_4, %dma_start3A_99] : memref<10240x128xf32, #tpu.memory_space<vmem_shared>> -> memref<640x128xf32, #tpu.memory_space<vmem_shared>>
      %dma_start3A_101 = arith.constant 0 : i32
      %dma_start3A_102 = tpu.memref_slice %arg5[%arg0, %mul3A_2, %dma_start3A_101] : memref<2x10240x128xf32, #tpu.memory_space<hbm>> -> memref<1x640x128xf32, #tpu.memory_space<hbm>>
      %dma_start3A_103 = tpu.memref_squeeze %dma_start3A_102 : memref<1x640x128xf32, #tpu.memory_space<hbm>> -> memref<640x128xf32, #tpu.memory_space<hbm>>
      tpu.enqueue_dma source(%dma_start3A_103 : memref<640x128xf32, #tpu.memory_space<hbm>>) target(%dma_start3A_100 : memref<640x128xf32, #tpu.memory_space<vmem_shared>>) target_semaphore(%run_scoped3A : memref<!tpu.dma_semaphore, #tpu.memory_space<semaphore_mem>>)
      %dma_wait3A_104 = arith.constant 0 : i32
      %dma_wait3A_105 = tpu.memref_slice %arg13[%mul3A_4, %dma_wait3A_104] : memref<10240x128xf32, #tpu.memory_space<vmem_shared>> -> memref<640x128xf32, #tpu.memory_space<vmem_shared>>
      %dma_wait3A_106 = arith.constant 0 : i32
      %dma_wait3A_107 = tpu.memref_slice %arg5[%arg0, %mul3A_2, %dma_wait3A_106] : memref<2x10240x128xf32, #tpu.memory_space<hbm>> -> memref<1x640x128xf32, #tpu.memory_space<hbm>>
      %dma_wait3A_108 = tpu.memref_squeeze %dma_wait3A_107 : memref<1x640x128xf32, #tpu.memory_space<hbm>> -> memref<640x128xf32, #tpu.memory_space<hbm>>
      tpu.wait_dma2 semaphore(%run_scoped3A : memref<!tpu.dma_semaphore, #tpu.memory_space<semaphore_mem>>) src(%dma_wait3A_108 : memref<640x128xf32, #tpu.memory_space<hbm>>) dst(%dma_wait3A_105 : memref<640x128xf32, #tpu.memory_space<vmem_shared>>)
      tpu.yield
    }) : () -> ()
    %mul3A_5 = arith.constant 640 : i32
    %mul3A_6 = arith.muli %arg1, %mul3A_5 : i32
    %mul3A_7 = arith.constant 640 : i32
    %mul3A_8 = arith.muli %arg1, %mul3A_7 : i32
    "tpu.region"() ({
      %run_scoped3A = tpu.sem_alloc : memref<!tpu.dma_semaphore, #tpu.memory_space<semaphore_mem>>
      %dma_start3A_99 = tpu.memref_slice %arg17[%mul3A_8] : memref<10240xf32, #tpu.memory_space<vmem_shared>> -> memref<640xf32, #tpu.memory_space<vmem_shared>>
      %dma_start3A_100 = tpu.memref_slice %arg6[%arg0, %mul3A_6] : memref<2x10240xf32, #tpu.memory_space<hbm>> -> memref<1x640xf32, #tpu.memory_space<hbm>>
      %dma_start3A_101 = tpu.memref_squeeze %dma_start3A_100 : memref<1x640xf32, #tpu.memory_space<hbm>> -> memref<640xf32, #tpu.memory_space<hbm>>
      tpu.enqueue_dma source(%dma_start3A_101 : memref<640xf32, #tpu.memory_space<hbm>>) target(%dma_start3A_99 : memref<640xf32, #tpu.memory_space<vmem_shared>>) target_semaphore(%run_scoped3A : memref<!tpu.dma_semaphore, #tpu.memory_space<semaphore_mem>>)
      %dma_wait3A_102 = tpu.memref_slice %arg17[%mul3A_8] : memref<10240xf32, #tpu.memory_space<vmem_shared>> -> memref<640xf32, #tpu.memory_space<vmem_shared>>
      %dma_wait3A_103 = tpu.memref_slice %arg6[%arg0, %mul3A_6] : memref<2x10240xf32, #tpu.memory_space<hbm>> -> memref<1x640xf32, #tpu.memory_space<hbm>>
      %dma_wait3A_104 = tpu.memref_squeeze %dma_wait3A_103 : memref<1x640xf32, #tpu.memory_space<hbm>> -> memref<640xf32, #tpu.memory_space<hbm>>
      tpu.wait_dma2 semaphore(%run_scoped3A : memref<!tpu.dma_semaphore, #tpu.memory_space<semaphore_mem>>) src(%dma_wait3A_104 : memref<640xf32, #tpu.memory_space<hbm>>) dst(%dma_wait3A_102 : memref<640xf32, #tpu.memory_space<vmem_shared>>)
      tpu.yield
    }) : () -> ()
    %broadcast_in_dim3A = arith.constant 1.000000e+00 : f32
    %broadcast_in_dim3A_9 = vector.broadcast %broadcast_in_dim3A : f32 to vector<16xf32>
    %swap3A = arith.constant 0 : index
    %swap3A_10 = tpu.vector_load %arg16[%swap3A] {strides = array<i32>} : memref<128xf32, #tpu.memory_space<vmem>>, vector<16xf32>,
    %swap3A_11 = vector.shape_cast %swap3A_10 : vector<16xf32> to vector<16xf32>
    %swap3A_12 = vector.shape_cast %broadcast_in_dim3A_9 : vector<16xf32> to vector<16xf32>
    tpu.vector_store %arg16[%swap3A], %swap3A_12 {strides = array<i32>} : memref<128xf32, #tpu.memory_space<vmem>>, vector<16xf32>,
    %broadcast_in_dim3A_13 = arith.constant 1.000000e+00 : f32
    %broadcast_in_dim3A_14 = vector.broadcast %broadcast_in_dim3A_13 : f32 to vector<16xf32>
    %swap3A_15 = arith.constant 16 : index
    %swap3A_16 = tpu.vector_load %arg16[%swap3A_15] {strides = array<i32>} : memref<128xf32, #tpu.memory_space<vmem>>, vector<16xf32>,
    %swap3A_17 = vector.shape_cast %swap3A_16 : vector<16xf32> to vector<16xf32>
    %swap3A_18 = vector.shape_cast %broadcast_in_dim3A_14 : vector<16xf32> to vector<16xf32>
    tpu.vector_store %arg16[%swap3A_15], %swap3A_18 {strides = array<i32>} : memref<128xf32, #tpu.memory_space<vmem>>, vector<16xf32>,
    %broadcast_in_dim3A_19 = arith.constant 1.000000e+00 : f32
    %broadcast_in_dim3A_20 = vector.broadcast %broadcast_in_dim3A_19 : f32 to vector<16xf32>
    %swap3A_21 = arith.constant 32 : index
    %swap3A_22 = tpu.vector_load %arg16[%swap3A_21] {strides = array<i32>} : memref<128xf32, #tpu.memory_space<vmem>>, vector<16xf32>,
    %swap3A_23 = vector.shape_cast %swap3A_22 : vector<16xf32> to vector<16xf32>
    %swap3A_24 = vector.shape_cast %broadcast_in_dim3A_20 : vector<16xf32> to vector<16xf32>
    tpu.vector_store %arg16[%swap3A_21], %swap3A_24 {strides = array<i32>} : memref<128xf32, #tpu.memory_space<vmem>>, vector<16xf32>,
    %broadcast_in_dim3A_25 = arith.constant 1.000000e+00 : f32
    %broadcast_in_dim3A_26 = vector.broadcast %broadcast_in_dim3A_25 : f32 to vector<16xf32>
    %swap3A_27 = arith.constant 48 : index
    %swap3A_28 = tpu.vector_load %arg16[%swap3A_27] {strides = array<i32>} : memref<128xf32, #tpu.memory_space<vmem>>, vector<16xf32>,
    %swap3A_29 = vector.shape_cast %swap3A_28 : vector<16xf32> to vector<16xf32>
    %swap3A_30 = vector.shape_cast %broadcast_in_dim3A_26 : vector<16xf32> to vector<16xf32>
    tpu.vector_store %arg16[%swap3A_27], %swap3A_30 {strides = array<i32>} : memref<128xf32, #tpu.memory_space<vmem>>, vector<16xf32>,
    %broadcast_in_dim3A_31 = arith.constant 1.000000e+00 : f32
    %broadcast_in_dim3A_32 = vector.broadcast %broadcast_in_dim3A_31 : f32 to vector<16xf32>
    %swap3A_33 = arith.constant 64 : index
    %swap3A_34 = tpu.vector_load %arg16[%swap3A_33] {strides = array<i32>} : memref<128xf32, #tpu.memory_space<vmem>>, vector<16xf32>,
    %swap3A_35 = vector.shape_cast %swap3A_34 : vector<16xf32> to vector<16xf32>
    %swap3A_36 = vector.shape_cast %broadcast_in_dim3A_32 : vector<16xf32> to vector<16xf32>
    tpu.vector_store %arg16[%swap3A_33], %swap3A_36 {strides = array<i32>} : memref<128xf32, #tpu.memory_space<vmem>>, vector<16xf32>,
    %broadcast_in_dim3A_37 = arith.constant 1.000000e+00 : f32
    %broadcast_in_dim3A_38 = vector.broadcast %broadcast_in_dim3A_37 : f32 to vector<16xf32>
    %swap3A_39 = arith.constant 80 : index
    %swap3A_40 = tpu.vector_load %arg16[%swap3A_39] {strides = array<i32>} : memref<128xf32, #tpu.memory_space<vmem>>, vector<16xf32>,
    %swap3A_41 = vector.shape_cast %swap3A_40 : vector<16xf32> to vector<16xf32>
    %swap3A_42 = vector.shape_cast %broadcast_in_dim3A_38 : vector<16xf32> to vector<16xf32>
    tpu.vector_store %arg16[%swap3A_39], %swap3A_42 {strides = array<i32>} : memref<128xf32, #tpu.memory_space<vmem>>, vector<16xf32>,
    %broadcast_in_dim3A_43 = arith.constant 1.000000e+00 : f32
    %broadcast_in_dim3A_44 = vector.broadcast %broadcast_in_dim3A_43 : f32 to vector<16xf32>
    %swap3A_45 = arith.constant 96 : index
    %swap3A_46 = tpu.vector_load %arg16[%swap3A_45] {strides = array<i32>} : memref<128xf32, #tpu.memory_space<vmem>>, vector<16xf32>,
    %swap3A_47 = vector.shape_cast %swap3A_46 : vector<16xf32> to vector<16xf32>
    %swap3A_48 = vector.shape_cast %broadcast_in_dim3A_44 : vector<16xf32> to vector<16xf32>
    tpu.vector_store %arg16[%swap3A_45], %swap3A_48 {strides = array<i32>} : memref<128xf32, #tpu.memory_space<vmem>>, vector<16xf32>,
    %broadcast_in_dim3A_49 = arith.constant 1.000000e+00 : f32
    %broadcast_in_dim3A_50 = vector.broadcast %broadcast_in_dim3A_49 : f32 to vector<16xf32>
    %swap3A_51 = arith.constant 112 : index
    %swap3A_52 = tpu.vector_load %arg16[%swap3A_51] {strides = array<i32>} : memref<128xf32, #tpu.memory_space<vmem>>, vector<16xf32>,
    %swap3A_53 = vector.shape_cast %swap3A_52 : vector<16xf32> to vector<16xf32>
    %swap3A_54 = vector.shape_cast %broadcast_in_dim3A_50 : vector<16xf32> to vector<16xf32>
    tpu.vector_store %arg16[%swap3A_51], %swap3A_54 {strides = array<i32>} : memref<128xf32, #tpu.memory_space<vmem>>, vector<16xf32>,
    %barrier3A = arith.constant 0 : index
    tpu.barrier barrier_id(%barrier3A)
    "tpu.region"() ({
      %run_scoped3A = tpu.sem_alloc : memref<!tpu.dma_semaphore, #tpu.memory_space<semaphore_mem>>
      %dma_start3A_99 = arith.constant 0 : i32
      %dma_start3A_100 = arith.constant 0 : i32
      %dma_start3A_101 = tpu.memref_slice %arg3[%add3A, %dma_start3A_99, %dma_start3A_100] : memref<32x80x128xi32, #tpu.memory_space<hbm>> -> memref<1x40x128xi32, #tpu.memory_space<hbm>>
      %dma_start3A_102 = tpu.memref_squeeze %dma_start3A_101 : memref<1x40x128xi32, #tpu.memory_space<hbm>> -> memref<40x128xi32, #tpu.memory_space<hbm>>
      %dma_start3A_103 = arith.constant 0 : i32
      %dma_start3A_104 = arith.constant 0 : i32
      %dma_start3A_105 = tpu.memref_slice %arg3[%add3A, %dma_start3A_103, %dma_start3A_104] : memref<32x80x128xi32, #tpu.memory_space<hbm>> -> memref<1x40x128xi32, #tpu.memory_space<hbm>>
      %dma_start3A_106 = tpu.memref_squeeze %dma_start3A_105 : memref<1x40x128xi32, #tpu.memory_space<hbm>> -> memref<40x128xi32, #tpu.memory_space<hbm>>
      tpu.enqueue_dma source(%dma_start3A_106 : memref<40x128xi32, #tpu.memory_space<hbm>>) target(%arg9 : memref<40x128xi32, #tpu.memory_space<vmem>>) target_semaphore(%run_scoped3A : memref<!tpu.dma_semaphore, #tpu.memory_space<semaphore_mem>>)
      %dma_wait3A_107 = arith.constant 0 : i32
      %dma_wait3A_108 = arith.constant 0 : i32
      %dma_wait3A_109 = tpu.memref_slice %arg3[%add3A, %dma_wait3A_107, %dma_wait3A_108] : memref<32x80x128xi32, #tpu.memory_space<hbm>> -> memref<1x40x128xi32, #tpu.memory_space<hbm>>
      %dma_wait3A_110 = tpu.memref_squeeze %dma_wait3A_109 : memref<1x40x128xi32, #tpu.memory_space<hbm>> -> memref<40x128xi32, #tpu.memory_space<hbm>>
      %dma_wait3A_111 = arith.constant 0 : i32
      %dma_wait3A_112 = arith.constant 0 : i32
      %dma_wait3A_113 = tpu.memref_slice %arg3[%add3A, %dma_wait3A_111, %dma_wait3A_112] : memref<32x80x128xi32, #tpu.memory_space<hbm>> -> memref<1x40x128xi32, #tpu.memory_space<hbm>>
      %dma_wait3A_114 = tpu.memref_squeeze %dma_wait3A_113 : memref<1x40x128xi32, #tpu.memory_space<hbm>> -> memref<40x128xi32, #tpu.memory_space<hbm>>
      tpu.wait_dma2 semaphore(%run_scoped3A : memref<!tpu.dma_semaphore, #tpu.memory_space<semaphore_mem>>) src(%dma_wait3A_114 : memref<40x128xi32, #tpu.memory_space<hbm>>) dst(%arg9 : memref<40x128xi32, #tpu.memory_space<vmem>>)
      tpu.yield
    }) : () -> ()
    "tpu.region"() ({
      %run_scoped3A = tpu.sem_alloc : memref<!tpu.dma_semaphore, #tpu.memory_space<semaphore_mem>>
      %dma_start3A_99 = arith.constant 0 : i32
      %dma_start3A_100 = arith.constant 0 : i32
      %dma_start3A_101 = tpu.memref_slice %arg4[%add3A, %dma_start3A_99, %dma_start3A_100] : memref<32x80x128xi32, #tpu.memory_space<hbm>> -> memref<1x40x128xi32, #tpu.memory_space<hbm>>
      %dma_start3A_102 = tpu.memref_squeeze %dma_start3A_101 : memref<1x40x128xi32, #tpu.memory_space<hbm>> -> memref<40x128xi32, #tpu.memory_space<hbm>>
      %dma_start3A_103 = arith.constant 0 : i32
      %dma_start3A_104 = arith.constant 0 : i32
      %dma_start3A_105 = tpu.memref_slice %arg4[%add3A, %dma_start3A_103, %dma_start3A_104] : memref<32x80x128xi32, #tpu.memory_space<hbm>> -> memref<1x40x128xi32, #tpu.memory_space<hbm>>
      %dma_start3A_106 = tpu.memref_squeeze %dma_start3A_105 : memref<1x40x128xi32, #tpu.memory_space<hbm>> -> memref<40x128xi32, #tpu.memory_space<hbm>>
      tpu.enqueue_dma source(%dma_start3A_106 : memref<40x128xi32, #tpu.memory_space<hbm>>) target(%arg10 : memref<40x128xi32, #tpu.memory_space<vmem>>) target_semaphore(%run_scoped3A : memref<!tpu.dma_semaphore, #tpu.memory_space<semaphore_mem>>)
      %dma_wait3A_107 = arith.constant 0 : i32
      %dma_wait3A_108 = arith.constant 0 : i32
      %dma_wait3A_109 = tpu.memref_slice %arg4[%add3A, %dma_wait3A_107, %dma_wait3A_108] : memref<32x80x128xi32, #tpu.memory_space<hbm>> -> memref<1x40x128xi32, #tpu.memory_space<hbm>>
      %dma_wait3A_110 = tpu.memref_squeeze %dma_wait3A_109 : memref<1x40x128xi32, #tpu.memory_space<hbm>> -> memref<40x128xi32, #tpu.memory_space<hbm>>
      %dma_wait3A_111 = arith.constant 0 : i32
      %dma_wait3A_112 = arith.constant 0 : i32
      %dma_wait3A_113 = tpu.memref_slice %arg4[%add3A, %dma_wait3A_111, %dma_wait3A_112] : memref<32x80x128xi32, #tpu.memory_space<hbm>> -> memref<1x40x128xi32, #tpu.memory_space<hbm>>
      %dma_wait3A_114 = tpu.memref_squeeze %dma_wait3A_113 : memref<1x40x128xi32, #tpu.memory_space<hbm>> -> memref<40x128xi32, #tpu.memory_space<hbm>>
      tpu.wait_dma2 semaphore(%run_scoped3A : memref<!tpu.dma_semaphore, #tpu.memory_space<semaphore_mem>>) src(%dma_wait3A_114 : memref<40x128xi32, #tpu.memory_space<hbm>>) dst(%arg10 : memref<40x128xi32, #tpu.memory_space<vmem>>)
      tpu.yield
    }) : () -> ()
    %dma_start3A = arith.constant 0 : i32
    %dma_start3A_55 = arith.constant 0 : i32
    %dma_start3A_56 = tpu.memref_slice %arg9[%dma_start3A, %dma_start3A_55] : memref<40x128xi32, #tpu.memory_space<vmem>> -> memref<1x128xi32, #tpu.memory_space<vmem>>
    %dma_start3A_57 = tpu.memref_squeeze %dma_start3A_56 : memref<1x128xi32, #tpu.memory_space<vmem>> -> memref<128xi32, #tpu.memory_space<vmem>>
    %dma_start3A_58 = arith.constant 0 : i32
    %dma_start3A_59 = arith.constant 0 : i32
    %dma_start3A_60 = tpu.memref_slice %arg2[%dma_start3A_58, %dma_start3A_59] : memref<10000x128xf32, #tpu.memory_space<hbm>> -> memref<10000x128xf32, #tpu.memory_space<hbm>>
    tpu.enqueue_indirect_dma source(%dma_start3A_60 : memref<10000x128xf32, #tpu.memory_space<hbm>>) target(%arg11 : memref<128x128xf32, #tpu.memory_space<vmem>>) offsets(%dma_start3A_57 : memref<128xi32, #tpu.memory_space<vmem>>) semaphore(%arg14 : memref<!tpu.dma_semaphore, #tpu.memory_space<semaphore_mem>>)
    %scan3A = arith.constant 0 : i32
    %scan3A_61 = arith.constant 20 : i32
    %scan3A_62 = arith.addi %scan3A, %scan3A_61 : i32
    %scan3A_63 = arith.constant 1 : i32
    scf.for %scan3A_99 = %scan3A to %scan3A_62 step %scan3A_63  : i32 {
      %mul3A_100 = arith.constant 2 : i32
      %mul3A_101 = arith.muli %mul3A_100, %scan3A_99 : i32
      %add3A_102 = arith.constant 1 : i32
      %add3A_103 = arith.addi %mul3A_101, %add3A_102 : i32
      %dma_start3A_104 = arith.constant 0 : i32
      %dma_start3A_105 = tpu.memref_slice %arg9[%add3A_103, %dma_start3A_104] : memref<40x128xi32, #tpu.memory_space<vmem>> -> memref<1x128xi32, #tpu.memory_space<vmem>>
      %dma_start3A_106 = tpu.memref_squeeze %dma_start3A_105 : memref<1x128xi32, #tpu.memory_space<vmem>> -> memref<128xi32, #tpu.memory_space<vmem>>
      %dma_start3A_107 = arith.constant 0 : i32
      %dma_start3A_108 = arith.constant 0 : i32
      %dma_start3A_109 = tpu.memref_slice %arg2[%dma_start3A_107, %dma_start3A_108] : memref<10000x128xf32, #tpu.memory_space<hbm>> -> memref<10000x128xf32, #tpu.memory_space<hbm>>
      tpu.enqueue_indirect_dma source(%dma_start3A_109 : memref<10000x128xf32, #tpu.memory_space<hbm>>) target(%arg12 : memref<128x128xf32, #tpu.memory_space<vmem>>) offsets(%dma_start3A_106 : memref<128xi32, #tpu.memory_space<vmem>>) semaphore(%arg15 : memref<!tpu.dma_semaphore, #tpu.memory_space<semaphore_mem>>)
      %dma_wait3A_110 = arith.constant 0 : i32
      %dma_wait3A_111 = tpu.memref_slice %arg9[%mul3A_101, %dma_wait3A_110] : memref<40x128xi32, #tpu.memory_space<vmem>> -> memref<1x128xi32, #tpu.memory_space<vmem>>
      %dma_wait3A_112 = tpu.memref_squeeze %dma_wait3A_111 : memref<1x128xi32, #tpu.memory_space<vmem>> -> memref<128xi32, #tpu.memory_space<vmem>>
      %dma_wait3A_113 = arith.constant 0 : i32
      %dma_wait3A_114 = arith.constant 0 : i32
      %dma_wait3A_115 = tpu.memref_slice %arg2[%dma_wait3A_113, %dma_wait3A_114] : memref<10000x128xf32, #tpu.memory_space<hbm>> -> memref<10000x128xf32, #tpu.memory_space<hbm>>
      tpu.wait_indirect_dma semaphore(%arg14 : memref<!tpu.dma_semaphore, #tpu.memory_space<semaphore_mem>>) src(%dma_wait3A_115 : memref<10000x128xf32, #tpu.memory_space<hbm>>) dst(%arg11 : memref<128x128xf32, #tpu.memory_space<vmem>>)
      "tpu.region"() ({
        %run_scoped3A = tpu.sem_alloc : memref<!tpu.dma_semaphore, #tpu.memory_space<semaphore_mem>>
        %dma_start3A_137 = arith.constant 0 : i32
        %dma_start3A_138 = tpu.memref_slice %arg10[%mul3A_101, %dma_start3A_137] : memref<40x128xi32, #tpu.memory_space<vmem>> -> memref<1x128xi32, #tpu.memory_space<vmem>>
        %dma_start3A_139 = tpu.memref_squeeze %dma_start3A_138 : memref<1x128xi32, #tpu.memory_space<vmem>> -> memref<128xi32, #tpu.memory_space<vmem>>
        %dma_start3A_140 = arith.constant 0 : i32
        %dma_start3A_141 = arith.constant 0 : i32
        %dma_start3A_142 = tpu.memref_slice %arg13[%dma_start3A_140, %dma_start3A_141] : memref<10240x128xf32, #tpu.memory_space<vmem_shared>> -> memref<10240x128xf32, #tpu.memory_space<vmem_shared>>
        tpu.enqueue_indirect_dma source(%arg11 : memref<128x128xf32, #tpu.memory_space<vmem>>) target(%dma_start3A_142 : memref<10240x128xf32, #tpu.memory_space<vmem_shared>>) offsets(%dma_start3A_139 : memref<128xi32, #tpu.memory_space<vmem>>) semaphore(%run_scoped3A : memref<!tpu.dma_semaphore, #tpu.memory_space<semaphore_mem>>) {add = true}
        %dma_wait3A_143 = arith.constant 0 : i32
        %dma_wait3A_144 = tpu.memref_slice %arg10[%mul3A_101, %dma_wait3A_143] : memref<40x128xi32, #tpu.memory_space<vmem>> -> memref<1x128xi32, #tpu.memory_space<vmem>>
        %dma_wait3A_145 = tpu.memref_squeeze %dma_wait3A_144 : memref<1x128xi32, #tpu.memory_space<vmem>> -> memref<128xi32, #tpu.memory_space<vmem>>
        %dma_wait3A_146 = arith.constant 0 : i32
        %dma_wait3A_147 = arith.constant 0 : i32
        %dma_wait3A_148 = tpu.memref_slice %arg13[%dma_wait3A_146, %dma_wait3A_147] : memref<10240x128xf32, #tpu.memory_space<vmem_shared>> -> memref<10240x128xf32, #tpu.memory_space<vmem_shared>>
        tpu.wait_indirect_dma semaphore(%run_scoped3A : memref<!tpu.dma_semaphore, #tpu.memory_space<semaphore_mem>>) src(%arg11 : memref<128x128xf32, #tpu.memory_space<vmem>>) dst(%dma_wait3A_148 : memref<10240x128xf32, #tpu.memory_space<vmem_shared>>)
        tpu.yield
      }) : () -> ()
      "tpu.region"() ({
        %run_scoped3A = tpu.sem_alloc : memref<!tpu.dma_semaphore, #tpu.memory_space<semaphore_mem>>
        %dma_start3A_137 = arith.constant 0 : i32
        %dma_start3A_138 = tpu.memref_slice %arg10[%mul3A_101, %dma_start3A_137] : memref<40x128xi32, #tpu.memory_space<vmem>> -> memref<1x128xi32, #tpu.memory_space<vmem>>
        %dma_start3A_139 = tpu.memref_squeeze %dma_start3A_138 : memref<1x128xi32, #tpu.memory_space<vmem>> -> memref<128xi32, #tpu.memory_space<vmem>>
        %dma_start3A_140 = arith.constant 0 : i32
        %dma_start3A_141 = tpu.memref_slice %arg17[%dma_start3A_140] : memref<10240xf32, #tpu.memory_space<vmem_shared>> -> memref<10240xf32, #tpu.memory_space<vmem_shared>>
        tpu.enqueue_indirect_dma source(%arg16 : memref<128xf32, #tpu.memory_space<vmem>>) target(%dma_start3A_141 : memref<10240xf32, #tpu.memory_space<vmem_shared>>) offsets(%dma_start3A_139 : memref<128xi32, #tpu.memory_space<vmem>>) semaphore(%run_scoped3A : memref<!tpu.dma_semaphore, #tpu.memory_space<semaphore_mem>>) {add = true}
        %dma_wait3A_142 = arith.constant 0 : i32
        %dma_wait3A_143 = tpu.memref_slice %arg10[%mul3A_101, %dma_wait3A_142] : memref<40x128xi32, #tpu.memory_space<vmem>> -> memref<1x128xi32, #tpu.memory_space<vmem>>
        %dma_wait3A_144 = tpu.memref_squeeze %dma_wait3A_143 : memref<1x128xi32, #tpu.memory_space<vmem>> -> memref<128xi32, #tpu.memory_space<vmem>>
        %dma_wait3A_145 = arith.constant 0 : i32
        %dma_wait3A_146 = tpu.memref_slice %arg17[%dma_wait3A_145] : memref<10240xf32, #tpu.memory_space<vmem_shared>> -> memref<10240xf32, #tpu.memory_space<vmem_shared>>
        tpu.wait_indirect_dma semaphore(%run_scoped3A : memref<!tpu.dma_semaphore, #tpu.memory_space<semaphore_mem>>) src(%arg16 : memref<128xf32, #tpu.memory_space<vmem>>) dst(%dma_wait3A_146 : memref<10240xf32, #tpu.memory_space<vmem_shared>>)
        tpu.yield
      }) : () -> ()
      %add3A_116 = arith.constant 2 : i32
      %add3A_117 = arith.addi %mul3A_101, %add3A_116 : i32
      %min3A = arith.constant 38 : i32
      %min3A_118 = arith.minsi %add3A_117, %min3A : i32
      %dma_start3A_119 = arith.constant 0 : i32
      %dma_start3A_120 = tpu.memref_slice %arg9[%min3A_118, %dma_start3A_119] : memref<40x128xi32, #tpu.memory_space<vmem>> -> memref<1x128xi32, #tpu.memory_space<vmem>>
      %dma_start3A_121 = tpu.memref_squeeze %dma_start3A_120 : memref<1x128xi32, #tpu.memory_space<vmem>> -> memref<128xi32, #tpu.memory_space<vmem>>
      %dma_start3A_122 = arith.constant 0 : i32
      %dma_start3A_123 = arith.constant 0 : i32
      %dma_start3A_124 = tpu.memref_slice %arg2[%dma_start3A_122, %dma_start3A_123] : memref<10000x128xf32, #tpu.memory_space<hbm>> -> memref<10000x128xf32, #tpu.memory_space<hbm>>
      tpu.enqueue_indirect_dma source(%dma_start3A_124 : memref<10000x128xf32, #tpu.memory_space<hbm>>) target(%arg11 : memref<128x128xf32, #tpu.memory_space<vmem>>) offsets(%dma_start3A_121 : memref<128xi32, #tpu.memory_space<vmem>>) semaphore(%arg14 : memref<!tpu.dma_semaphore, #tpu.memory_space<semaphore_mem>>)
      %add3A_125 = arith.constant 1 : i32
      %add3A_126 = arith.addi %mul3A_101, %add3A_125 : i32
      %dma_wait3A_127 = arith.constant 0 : i32
      %dma_wait3A_128 = tpu.memref_slice %arg9[%add3A_126, %dma_wait3A_127] : memref<40x128xi32, #tpu.memory_space<vmem>> -> memref<1x128xi32, #tpu.memory_space<vmem>>
      %dma_wait3A_129 = tpu.memref_squeeze %dma_wait3A_128 : memref<1x128xi32, #tpu.memory_space<vmem>> -> memref<128xi32, #tpu.memory_space<vmem>>
      %dma_wait3A_130 = arith.constant 0 : i32
      %dma_wait3A_131 = arith.constant 0 : i32
      %dma_wait3A_132 = tpu.memref_slice %arg2[%dma_wait3A_130, %dma_wait3A_131] : memref<10000x128xf32, #tpu.memory_space<hbm>> -> memref<10000x128xf32, #tpu.memory_space<hbm>>
      tpu.wait_indirect_dma semaphore(%arg15 : memref<!tpu.dma_semaphore, #tpu.memory_space<semaphore_mem>>) src(%dma_wait3A_132 : memref<10000x128xf32, #tpu.memory_space<hbm>>) dst(%arg12 : memref<128x128xf32, #tpu.memory_space<vmem>>)
      %add3A_133 = arith.constant 1 : i32
      %add3A_134 = arith.addi %mul3A_101, %add3A_133 : i32
      "tpu.region"() ({
        %run_scoped3A = tpu.sem_alloc : memref<!tpu.dma_semaphore, #tpu.memory_space<semaphore_mem>>
        %dma_start3A_137 = arith.constant 0 : i32
        %dma_start3A_138 = tpu.memref_slice %arg10[%add3A_134, %dma_start3A_137] : memref<40x128xi32, #tpu.memory_space<vmem>> -> memref<1x128xi32, #tpu.memory_space<vmem>>
        %dma_start3A_139 = tpu.memref_squeeze %dma_start3A_138 : memref<1x128xi32, #tpu.memory_space<vmem>> -> memref<128xi32, #tpu.memory_space<vmem>>
        %dma_start3A_140 = arith.constant 0 : i32
        %dma_start3A_141 = arith.constant 0 : i32
        %dma_start3A_142 = tpu.memref_slice %arg13[%dma_start3A_140, %dma_start3A_141] : memref<10240x128xf32, #tpu.memory_space<vmem_shared>> -> memref<10240x128xf32, #tpu.memory_space<vmem_shared>>
        tpu.enqueue_indirect_dma source(%arg12 : memref<128x128xf32, #tpu.memory_space<vmem>>) target(%dma_start3A_142 : memref<10240x128xf32, #tpu.memory_space<vmem_shared>>) offsets(%dma_start3A_139 : memref<128xi32, #tpu.memory_space<vmem>>) semaphore(%run_scoped3A : memref<!tpu.dma_semaphore, #tpu.memory_space<semaphore_mem>>) {add = true}
        %dma_wait3A_143 = arith.constant 0 : i32
        %dma_wait3A_144 = tpu.memref_slice %arg10[%add3A_134, %dma_wait3A_143] : memref<40x128xi32, #tpu.memory_space<vmem>> -> memref<1x128xi32, #tpu.memory_space<vmem>>
        %dma_wait3A_145 = tpu.memref_squeeze %dma_wait3A_144 : memref<1x128xi32, #tpu.memory_space<vmem>> -> memref<128xi32, #tpu.memory_space<vmem>>
        %dma_wait3A_146 = arith.constant 0 : i32
        %dma_wait3A_147 = arith.constant 0 : i32
        %dma_wait3A_148 = tpu.memref_slice %arg13[%dma_wait3A_146, %dma_wait3A_147] : memref<10240x128xf32, #tpu.memory_space<vmem_shared>> -> memref<10240x128xf32, #tpu.memory_space<vmem_shared>>
        tpu.wait_indirect_dma semaphore(%run_scoped3A : memref<!tpu.dma_semaphore, #tpu.memory_space<semaphore_mem>>) src(%arg12 : memref<128x128xf32, #tpu.memory_space<vmem>>) dst(%dma_wait3A_148 : memref<10240x128xf32, #tpu.memory_space<vmem_shared>>)
        tpu.yield
      }) : () -> ()
      %add3A_135 = arith.constant 1 : i32
      %add3A_136 = arith.addi %mul3A_101, %add3A_135 : i32
      "tpu.region"() ({
        %run_scoped3A = tpu.sem_alloc : memref<!tpu.dma_semaphore, #tpu.memory_space<semaphore_mem>>
        %dma_start3A_137 = arith.constant 0 : i32
        %dma_start3A_138 = tpu.memref_slice %arg10[%add3A_136, %dma_start3A_137] : memref<40x128xi32, #tpu.memory_space<vmem>> -> memref<1x128xi32, #tpu.memory_space<vmem>>
        %dma_start3A_139 = tpu.memref_squeeze %dma_start3A_138 : memref<1x128xi32, #tpu.memory_space<vmem>> -> memref<128xi32, #tpu.memory_space<vmem>>
        %dma_start3A_140 = arith.constant 0 : i32
        %dma_start3A_141 = tpu.memref_slice %arg17[%dma_start3A_140] : memref<10240xf32, #tpu.memory_space<vmem_shared>> -> memref<10240xf32, #tpu.memory_space<vmem_shared>>
        tpu.enqueue_indirect_dma source(%arg16 : memref<128xf32, #tpu.memory_space<vmem>>) target(%dma_start3A_141 : memref<10240xf32, #tpu.memory_space<vmem_shared>>) offsets(%dma_start3A_139 : memref<128xi32, #tpu.memory_space<vmem>>) semaphore(%run_scoped3A : memref<!tpu.dma_semaphore, #tpu.memory_space<semaphore_mem>>) {add = true}
        %dma_wait3A_142 = arith.constant 0 : i32
        %dma_wait3A_143 = tpu.memref_slice %arg10[%add3A_136, %dma_wait3A_142] : memref<40x128xi32, #tpu.memory_space<vmem>> -> memref<1x128xi32, #tpu.memory_space<vmem>>
        %dma_wait3A_144 = tpu.memref_squeeze %dma_wait3A_143 : memref<1x128xi32, #tpu.memory_space<vmem>> -> memref<128xi32, #tpu.memory_space<vmem>>
        %dma_wait3A_145 = arith.constant 0 : i32
        %dma_wait3A_146 = tpu.memref_slice %arg17[%dma_wait3A_145] : memref<10240xf32, #tpu.memory_space<vmem_shared>> -> memref<10240xf32, #tpu.memory_space<vmem_shared>>
        tpu.wait_indirect_dma semaphore(%run_scoped3A : memref<!tpu.dma_semaphore, #tpu.memory_space<semaphore_mem>>) src(%arg16 : memref<128xf32, #tpu.memory_space<vmem>>) dst(%dma_wait3A_146 : memref<10240xf32, #tpu.memory_space<vmem_shared>>)
        tpu.yield
      }) : () -> ()
    }
    %scan3A_64 = arith.constant 20 : i32
    %dma_wait3A = arith.constant 0 : i32
    %dma_wait3A_65 = arith.constant 0 : i32
    %dma_wait3A_66 = tpu.memref_slice %arg9[%dma_wait3A, %dma_wait3A_65] : memref<40x128xi32, #tpu.memory_space<vmem>> -> memref<1x128xi32, #tpu.memory_space<vmem>>
    %dma_wait3A_67 = tpu.memref_squeeze %dma_wait3A_66 : memref<1x128xi32, #tpu.memory_space<vmem>> -> memref<128xi32, #tpu.memory_space<vmem>>
    %dma_wait3A_68 = arith.constant 0 : i32
    %dma_wait3A_69 = arith.constant 0 : i32
    %dma_wait3A_70 = tpu.memref_slice %arg2[%dma_wait3A_68, %dma_wait3A_69] : memref<10000x128xf32, #tpu.memory_space<hbm>> -> memref<10000x128xf32, #tpu.memory_space<hbm>>
    tpu.wait_indirect_dma semaphore(%arg14 : memref<!tpu.dma_semaphore, #tpu.memory_space<semaphore_mem>>) src(%dma_wait3A_70 : memref<10000x128xf32, #tpu.memory_space<hbm>>) dst(%arg11 : memref<128x128xf32, #tpu.memory_space<vmem>>)
    "tpu.region"() ({
      %run_scoped3A = tpu.sem_alloc : memref<!tpu.dma_semaphore, #tpu.memory_space<semaphore_mem>>
      %dma_start3A_99 = arith.constant 40 : i32
      %dma_start3A_100 = arith.constant 0 : i32
      %dma_start3A_101 = tpu.memref_slice %arg3[%add3A, %dma_start3A_99, %dma_start3A_100] : memref<32x80x128xi32, #tpu.memory_space<hbm>> -> memref<1x40x128xi32, #tpu.memory_space<hbm>>
      %dma_start3A_102 = tpu.memref_squeeze %dma_start3A_101 : memref<1x40x128xi32, #tpu.memory_space<hbm>> -> memref<40x128xi32, #tpu.memory_space<hbm>>
      %dma_start3A_103 = arith.constant 40 : i32
      %dma_start3A_104 = arith.constant 0 : i32
      %dma_start3A_105 = tpu.memref_slice %arg3[%add3A, %dma_start3A_103, %dma_start3A_104] : memref<32x80x128xi32, #tpu.memory_space<hbm>> -> memref<1x40x128xi32, #tpu.memory_space<hbm>>
      %dma_start3A_106 = tpu.memref_squeeze %dma_start3A_105 : memref<1x40x128xi32, #tpu.memory_space<hbm>> -> memref<40x128xi32, #tpu.memory_space<hbm>>
      tpu.enqueue_dma source(%dma_start3A_106 : memref<40x128xi32, #tpu.memory_space<hbm>>) target(%arg9 : memref<40x128xi32, #tpu.memory_space<vmem>>) target_semaphore(%run_scoped3A : memref<!tpu.dma_semaphore, #tpu.memory_space<semaphore_mem>>)
      %dma_wait3A_107 = arith.constant 40 : i32
      %dma_wait3A_108 = arith.constant 0 : i32
      %dma_wait3A_109 = tpu.memref_slice %arg3[%add3A, %dma_wait3A_107, %dma_wait3A_108] : memref<32x80x128xi32, #tpu.memory_space<hbm>> -> memref<1x40x128xi32, #tpu.memory_space<hbm>>
      %dma_wait3A_110 = tpu.memref_squeeze %dma_wait3A_109 : memref<1x40x128xi32, #tpu.memory_space<hbm>> -> memref<40x128xi32, #tpu.memory_space<hbm>>
      %dma_wait3A_111 = arith.constant 40 : i32
      %dma_wait3A_112 = arith.constant 0 : i32
      %dma_wait3A_113 = tpu.memref_slice %arg3[%add3A, %dma_wait3A_111, %dma_wait3A_112] : memref<32x80x128xi32, #tpu.memory_space<hbm>> -> memref<1x40x128xi32, #tpu.memory_space<hbm>>
      %dma_wait3A_114 = tpu.memref_squeeze %dma_wait3A_113 : memref<1x40x128xi32, #tpu.memory_space<hbm>> -> memref<40x128xi32, #tpu.memory_space<hbm>>
      tpu.wait_dma2 semaphore(%run_scoped3A : memref<!tpu.dma_semaphore, #tpu.memory_space<semaphore_mem>>) src(%dma_wait3A_114 : memref<40x128xi32, #tpu.memory_space<hbm>>) dst(%arg9 : memref<40x128xi32, #tpu.memory_space<vmem>>)
      tpu.yield
    }) : () -> ()
    "tpu.region"() ({
      %run_scoped3A = tpu.sem_alloc : memref<!tpu.dma_semaphore, #tpu.memory_space<semaphore_mem>>
      %dma_start3A_99 = arith.constant 40 : i32
      %dma_start3A_100 = arith.constant 0 : i32
      %dma_start3A_101 = tpu.memref_slice %arg4[%add3A, %dma_start3A_99, %dma_start3A_100] : memref<32x80x128xi32, #tpu.memory_space<hbm>> -> memref<1x40x128xi32, #tpu.memory_space<hbm>>
      %dma_start3A_102 = tpu.memref_squeeze %dma_start3A_101 : memref<1x40x128xi32, #tpu.memory_space<hbm>> -> memref<40x128xi32, #tpu.memory_space<hbm>>
      %dma_start3A_103 = arith.constant 40 : i32
      %dma_start3A_104 = arith.constant 0 : i32
      %dma_start3A_105 = tpu.memref_slice %arg4[%add3A, %dma_start3A_103, %dma_start3A_104] : memref<32x80x128xi32, #tpu.memory_space<hbm>> -> memref<1x40x128xi32, #tpu.memory_space<hbm>>
      %dma_start3A_106 = tpu.memref_squeeze %dma_start3A_105 : memref<1x40x128xi32, #tpu.memory_space<hbm>> -> memref<40x128xi32, #tpu.memory_space<hbm>>
      tpu.enqueue_dma source(%dma_start3A_106 : memref<40x128xi32, #tpu.memory_space<hbm>>) target(%arg10 : memref<40x128xi32, #tpu.memory_space<vmem>>) target_semaphore(%run_scoped3A : memref<!tpu.dma_semaphore, #tpu.memory_space<semaphore_mem>>)
      %dma_wait3A_107 = arith.constant 40 : i32
      %dma_wait3A_108 = arith.constant 0 : i32
      %dma_wait3A_109 = tpu.memref_slice %arg4[%add3A, %dma_wait3A_107, %dma_wait3A_108] : memref<32x80x128xi32, #tpu.memory_space<hbm>> -> memref<1x40x128xi32, #tpu.memory_space<hbm>>
      %dma_wait3A_110 = tpu.memref_squeeze %dma_wait3A_109 : memref<1x40x128xi32, #tpu.memory_space<hbm>> -> memref<40x128xi32, #tpu.memory_space<hbm>>
      %dma_wait3A_111 = arith.constant 40 : i32
      %dma_wait3A_112 = arith.constant 0 : i32
      %dma_wait3A_113 = tpu.memref_slice %arg4[%add3A, %dma_wait3A_111, %dma_wait3A_112] : memref<32x80x128xi32, #tpu.memory_space<hbm>> -> memref<1x40x128xi32, #tpu.memory_space<hbm>>
      %dma_wait3A_114 = tpu.memref_squeeze %dma_wait3A_113 : memref<1x40x128xi32, #tpu.memory_space<hbm>> -> memref<40x128xi32, #tpu.memory_space<hbm>>
      tpu.wait_dma2 semaphore(%run_scoped3A : memref<!tpu.dma_semaphore, #tpu.memory_space<semaphore_mem>>) src(%dma_wait3A_114 : memref<40x128xi32, #tpu.memory_space<hbm>>) dst(%arg10 : memref<40x128xi32, #tpu.memory_space<vmem>>)
      tpu.yield
    }) : () -> ()
    %dma_start3A_71 = arith.constant 0 : i32
    %dma_start3A_72 = arith.constant 0 : i32
    %dma_start3A_73 = tpu.memref_slice %arg9[%dma_start3A_71, %dma_start3A_72] : memref<40x128xi32, #tpu.memory_space<vmem>> -> memref<1x128xi32, #tpu.memory_space<vmem>>
    %dma_start3A_74 = tpu.memref_squeeze %dma_start3A_73 : memref<1x128xi32, #tpu.memory_space<vmem>> -> memref<128xi32, #tpu.memory_space<vmem>>
    %dma_start3A_75 = arith.constant 0 : i32
    %dma_start3A_76 = arith.constant 0 : i32
    %dma_start3A_77 = tpu.memref_slice %arg2[%dma_start3A_75, %dma_start3A_76] : memref<10000x128xf32, #tpu.memory_space<hbm>> -> memref<10000x128xf32, #tpu.memory_space<hbm>>
    tpu.enqueue_indirect_dma source(%dma_start3A_77 : memref<10000x128xf32, #tpu.memory_space<hbm>>) target(%arg11 : memref<128x128xf32, #tpu.memory_space<vmem>>) offsets(%dma_start3A_74 : memref<128xi32, #tpu.memory_space<vmem>>) semaphore(%arg14 : memref<!tpu.dma_semaphore, #tpu.memory_space<semaphore_mem>>)
    %scan3A_78 = arith.constant 0 : i32
    %scan3A_79 = arith.constant 20 : i32
    %scan3A_80 = arith.addi %scan3A_78, %scan3A_79 : i32
    %scan3A_81 = arith.constant 1 : i32
    scf.for %scan3A_99 = %scan3A_78 to %scan3A_80 step %scan3A_81  : i32 {
      %mul3A_100 = arith.constant 2 : i32
      %mul3A_101 = arith.muli %mul3A_100, %scan3A_99 : i32
      %add3A_102 = arith.constant 1 : i32
      %add3A_103 = arith.addi %mul3A_101, %add3A_102 : i32
      %dma_start3A_104 = arith.constant 0 : i32
      %dma_start3A_105 = tpu.memref_slice %arg9[%add3A_103, %dma_start3A_104] : memref<40x128xi32, #tpu.memory_space<vmem>> -> memref<1x128xi32, #tpu.memory_space<vmem>>
      %dma_start3A_106 = tpu.memref_squeeze %dma_start3A_105 : memref<1x128xi32, #tpu.memory_space<vmem>> -> memref<128xi32, #tpu.memory_space<vmem>>
      %dma_start3A_107 = arith.constant 0 : i32
      %dma_start3A_108 = arith.constant 0 : i32
      %dma_start3A_109 = tpu.memref_slice %arg2[%dma_start3A_107, %dma_start3A_108] : memref<10000x128xf32, #tpu.memory_space<hbm>> -> memref<10000x128xf32, #tpu.memory_space<hbm>>
      tpu.enqueue_indirect_dma source(%dma_start3A_109 : memref<10000x128xf32, #tpu.memory_space<hbm>>) target(%arg12 : memref<128x128xf32, #tpu.memory_space<vmem>>) offsets(%dma_start3A_106 : memref<128xi32, #tpu.memory_space<vmem>>) semaphore(%arg15 : memref<!tpu.dma_semaphore, #tpu.memory_space<semaphore_mem>>)
      %dma_wait3A_110 = arith.constant 0 : i32
      %dma_wait3A_111 = tpu.memref_slice %arg9[%mul3A_101, %dma_wait3A_110] : memref<40x128xi32, #tpu.memory_space<vmem>> -> memref<1x128xi32, #tpu.memory_space<vmem>>
      %dma_wait3A_112 = tpu.memref_squeeze %dma_wait3A_111 : memref<1x128xi32, #tpu.memory_space<vmem>> -> memref<128xi32, #tpu.memory_space<vmem>>
      %dma_wait3A_113 = arith.constant 0 : i32
      %dma_wait3A_114 = arith.constant 0 : i32
      %dma_wait3A_115 = tpu.memref_slice %arg2[%dma_wait3A_113, %dma_wait3A_114] : memref<10000x128xf32, #tpu.memory_space<hbm>> -> memref<10000x128xf32, #tpu.memory_space<hbm>>
      tpu.wait_indirect_dma semaphore(%arg14 : memref<!tpu.dma_semaphore, #tpu.memory_space<semaphore_mem>>) src(%dma_wait3A_115 : memref<10000x128xf32, #tpu.memory_space<hbm>>) dst(%arg11 : memref<128x128xf32, #tpu.memory_space<vmem>>)
      "tpu.region"() ({
        %run_scoped3A = tpu.sem_alloc : memref<!tpu.dma_semaphore, #tpu.memory_space<semaphore_mem>>
        %dma_start3A_137 = arith.constant 0 : i32
        %dma_start3A_138 = tpu.memref_slice %arg10[%mul3A_101, %dma_start3A_137] : memref<40x128xi32, #tpu.memory_space<vmem>> -> memref<1x128xi32, #tpu.memory_space<vmem>>
        %dma_start3A_139 = tpu.memref_squeeze %dma_start3A_138 : memref<1x128xi32, #tpu.memory_space<vmem>> -> memref<128xi32, #tpu.memory_space<vmem>>
        %dma_start3A_140 = arith.constant 0 : i32
        %dma_start3A_141 = arith.constant 0 : i32
        %dma_start3A_142 = tpu.memref_slice %arg13[%dma_start3A_140, %dma_start3A_141] : memref<10240x128xf32, #tpu.memory_space<vmem_shared>> -> memref<10240x128xf32, #tpu.memory_space<vmem_shared>>
        tpu.enqueue_indirect_dma source(%arg11 : memref<128x128xf32, #tpu.memory_space<vmem>>) target(%dma_start3A_142 : memref<10240x128xf32, #tpu.memory_space<vmem_shared>>) offsets(%dma_start3A_139 : memref<128xi32, #tpu.memory_space<vmem>>) semaphore(%run_scoped3A : memref<!tpu.dma_semaphore, #tpu.memory_space<semaphore_mem>>) {add = true}
        %dma_wait3A_143 = arith.constant 0 : i32
        %dma_wait3A_144 = tpu.memref_slice %arg10[%mul3A_101, %dma_wait3A_143] : memref<40x128xi32, #tpu.memory_space<vmem>> -> memref<1x128xi32, #tpu.memory_space<vmem>>
        %dma_wait3A_145 = tpu.memref_squeeze %dma_wait3A_144 : memref<1x128xi32, #tpu.memory_space<vmem>> -> memref<128xi32, #tpu.memory_space<vmem>>
        %dma_wait3A_146 = arith.constant 0 : i32
        %dma_wait3A_147 = arith.constant 0 : i32
        %dma_wait3A_148 = tpu.memref_slice %arg13[%dma_wait3A_146, %dma_wait3A_147] : memref<10240x128xf32, #tpu.memory_space<vmem_shared>> -> memref<10240x128xf32, #tpu.memory_space<vmem_shared>>
        tpu.wait_indirect_dma semaphore(%run_scoped3A : memref<!tpu.dma_semaphore, #tpu.memory_space<semaphore_mem>>) src(%arg11 : memref<128x128xf32, #tpu.memory_space<vmem>>) dst(%dma_wait3A_148 : memref<10240x128xf32, #tpu.memory_space<vmem_shared>>)
        tpu.yield
      }) : () -> ()
      "tpu.region"() ({
        %run_scoped3A = tpu.sem_alloc : memref<!tpu.dma_semaphore, #tpu.memory_space<semaphore_mem>>
        %dma_start3A_137 = arith.constant 0 : i32
        %dma_start3A_138 = tpu.memref_slice %arg10[%mul3A_101, %dma_start3A_137] : memref<40x128xi32, #tpu.memory_space<vmem>> -> memref<1x128xi32, #tpu.memory_space<vmem>>
        %dma_start3A_139 = tpu.memref_squeeze %dma_start3A_138 : memref<1x128xi32, #tpu.memory_space<vmem>> -> memref<128xi32, #tpu.memory_space<vmem>>
        %dma_start3A_140 = arith.constant 0 : i32
        %dma_start3A_141 = tpu.memref_slice %arg17[%dma_start3A_140] : memref<10240xf32, #tpu.memory_space<vmem_shared>> -> memref<10240xf32, #tpu.memory_space<vmem_shared>>
        tpu.enqueue_indirect_dma source(%arg16 : memref<128xf32, #tpu.memory_space<vmem>>) target(%dma_start3A_141 : memref<10240xf32, #tpu.memory_space<vmem_shared>>) offsets(%dma_start3A_139 : memref<128xi32, #tpu.memory_space<vmem>>) semaphore(%run_scoped3A : memref<!tpu.dma_semaphore, #tpu.memory_space<semaphore_mem>>) {add = true}
        %dma_wait3A_142 = arith.constant 0 : i32
        %dma_wait3A_143 = tpu.memref_slice %arg10[%mul3A_101, %dma_wait3A_142] : memref<40x128xi32, #tpu.memory_space<vmem>> -> memref<1x128xi32, #tpu.memory_space<vmem>>
        %dma_wait3A_144 = tpu.memref_squeeze %dma_wait3A_143 : memref<1x128xi32, #tpu.memory_space<vmem>> -> memref<128xi32, #tpu.memory_space<vmem>>
        %dma_wait3A_145 = arith.constant 0 : i32
        %dma_wait3A_146 = tpu.memref_slice %arg17[%dma_wait3A_145] : memref<10240xf32, #tpu.memory_space<vmem_shared>> -> memref<10240xf32, #tpu.memory_space<vmem_shared>>
        tpu.wait_indirect_dma semaphore(%run_scoped3A : memref<!tpu.dma_semaphore, #tpu.memory_space<semaphore_mem>>) src(%arg16 : memref<128xf32, #tpu.memory_space<vmem>>) dst(%dma_wait3A_146 : memref<10240xf32, #tpu.memory_space<vmem_shared>>)
        tpu.yield
      }) : () -> ()
      %add3A_116 = arith.constant 2 : i32
      %add3A_117 = arith.addi %mul3A_101, %add3A_116 : i32
      %min3A = arith.constant 38 : i32
      %min3A_118 = arith.minsi %add3A_117, %min3A : i32
      %dma_start3A_119 = arith.constant 0 : i32
      %dma_start3A_120 = tpu.memref_slice %arg9[%min3A_118, %dma_start3A_119] : memref<40x128xi32, #tpu.memory_space<vmem>> -> memref<1x128xi32, #tpu.memory_space<vmem>>
      %dma_start3A_121 = tpu.memref_squeeze %dma_start3A_120 : memref<1x128xi32, #tpu.memory_space<vmem>> -> memref<128xi32, #tpu.memory_space<vmem>>
      %dma_start3A_122 = arith.constant 0 : i32
      %dma_start3A_123 = arith.constant 0 : i32
      %dma_start3A_124 = tpu.memref_slice %arg2[%dma_start3A_122, %dma_start3A_123] : memref<10000x128xf32, #tpu.memory_space<hbm>> -> memref<10000x128xf32, #tpu.memory_space<hbm>>
      tpu.enqueue_indirect_dma source(%dma_start3A_124 : memref<10000x128xf32, #tpu.memory_space<hbm>>) target(%arg11 : memref<128x128xf32, #tpu.memory_space<vmem>>) offsets(%dma_start3A_121 : memref<128xi32, #tpu.memory_space<vmem>>) semaphore(%arg14 : memref<!tpu.dma_semaphore, #tpu.memory_space<semaphore_mem>>)
      %add3A_125 = arith.constant 1 : i32
      %add3A_126 = arith.addi %mul3A_101, %add3A_125 : i32
      %dma_wait3A_127 = arith.constant 0 : i32
      %dma_wait3A_128 = tpu.memref_slice %arg9[%add3A_126, %dma_wait3A_127] : memref<40x128xi32, #tpu.memory_space<vmem>> -> memref<1x128xi32, #tpu.memory_space<vmem>>
      %dma_wait3A_129 = tpu.memref_squeeze %dma_wait3A_128 : memref<1x128xi32, #tpu.memory_space<vmem>> -> memref<128xi32, #tpu.memory_space<vmem>>
      %dma_wait3A_130 = arith.constant 0 : i32
      %dma_wait3A_131 = arith.constant 0 : i32
      %dma_wait3A_132 = tpu.memref_slice %arg2[%dma_wait3A_130, %dma_wait3A_131] : memref<10000x128xf32, #tpu.memory_space<hbm>> -> memref<10000x128xf32, #tpu.memory_space<hbm>>
      tpu.wait_indirect_dma semaphore(%arg15 : memref<!tpu.dma_semaphore, #tpu.memory_space<semaphore_mem>>) src(%dma_wait3A_132 : memref<10000x128xf32, #tpu.memory_space<hbm>>) dst(%arg12 : memref<128x128xf32, #tpu.memory_space<vmem>>)
      %add3A_133 = arith.constant 1 : i32
      %add3A_134 = arith.addi %mul3A_101, %add3A_133 : i32
      "tpu.region"() ({
        %run_scoped3A = tpu.sem_alloc : memref<!tpu.dma_semaphore, #tpu.memory_space<semaphore_mem>>
        %dma_start3A_137 = arith.constant 0 : i32
        %dma_start3A_138 = tpu.memref_slice %arg10[%add3A_134, %dma_start3A_137] : memref<40x128xi32, #tpu.memory_space<vmem>> -> memref<1x128xi32, #tpu.memory_space<vmem>>
        %dma_start3A_139 = tpu.memref_squeeze %dma_start3A_138 : memref<1x128xi32, #tpu.memory_space<vmem>> -> memref<128xi32, #tpu.memory_space<vmem>>
        %dma_start3A_140 = arith.constant 0 : i32
        %dma_start3A_141 = arith.constant 0 : i32
        %dma_start3A_142 = tpu.memref_slice %arg13[%dma_start3A_140, %dma_start3A_141] : memref<10240x128xf32, #tpu.memory_space<vmem_shared>> -> memref<10240x128xf32, #tpu.memory_space<vmem_shared>>
        tpu.enqueue_indirect_dma source(%arg12 : memref<128x128xf32, #tpu.memory_space<vmem>>) target(%dma_start3A_142 : memref<10240x128xf32, #tpu.memory_space<vmem_shared>>) offsets(%dma_start3A_139 : memref<128xi32, #tpu.memory_space<vmem>>) semaphore(%run_scoped3A : memref<!tpu.dma_semaphore, #tpu.memory_space<semaphore_mem>>) {add = true}
        %dma_wait3A_143 = arith.constant 0 : i32
        %dma_wait3A_144 = tpu.memref_slice %arg10[%add3A_134, %dma_wait3A_143] : memref<40x128xi32, #tpu.memory_space<vmem>> -> memref<1x128xi32, #tpu.memory_space<vmem>>
        %dma_wait3A_145 = tpu.memref_squeeze %dma_wait3A_144 : memref<1x128xi32, #tpu.memory_space<vmem>> -> memref<128xi32, #tpu.memory_space<vmem>>
        %dma_wait3A_146 = arith.constant 0 : i32
        %dma_wait3A_147 = arith.constant 0 : i32
        %dma_wait3A_148 = tpu.memref_slice %arg13[%dma_wait3A_146, %dma_wait3A_147] : memref<10240x128xf32, #tpu.memory_space<vmem_shared>> -> memref<10240x128xf32, #tpu.memory_space<vmem_shared>>
        tpu.wait_indirect_dma semaphore(%run_scoped3A : memref<!tpu.dma_semaphore, #tpu.memory_space<semaphore_mem>>) src(%arg12 : memref<128x128xf32, #tpu.memory_space<vmem>>) dst(%dma_wait3A_148 : memref<10240x128xf32, #tpu.memory_space<vmem_shared>>)
        tpu.yield
      }) : () -> ()
      %add3A_135 = arith.constant 1 : i32
      %add3A_136 = arith.addi %mul3A_101, %add3A_135 : i32
      "tpu.region"() ({
        %run_scoped3A = tpu.sem_alloc : memref<!tpu.dma_semaphore, #tpu.memory_space<semaphore_mem>>
        %dma_start3A_137 = arith.constant 0 : i32
        %dma_start3A_138 = tpu.memref_slice %arg10[%add3A_136, %dma_start3A_137] : memref<40x128xi32, #tpu.memory_space<vmem>> -> memref<1x128xi32, #tpu.memory_space<vmem>>
        %dma_start3A_139 = tpu.memref_squeeze %dma_start3A_138 : memref<1x128xi32, #tpu.memory_space<vmem>> -> memref<128xi32, #tpu.memory_space<vmem>>
        %dma_start3A_140 = arith.constant 0 : i32
        %dma_start3A_141 = tpu.memref_slice %arg17[%dma_start3A_140] : memref<10240xf32, #tpu.memory_space<vmem_shared>> -> memref<10240xf32, #tpu.memory_space<vmem_shared>>
        tpu.enqueue_indirect_dma source(%arg16 : memref<128xf32, #tpu.memory_space<vmem>>) target(%dma_start3A_141 : memref<10240xf32, #tpu.memory_space<vmem_shared>>) offsets(%dma_start3A_139 : memref<128xi32, #tpu.memory_space<vmem>>) semaphore(%run_scoped3A : memref<!tpu.dma_semaphore, #tpu.memory_space<semaphore_mem>>) {add = true}
        %dma_wait3A_142 = arith.constant 0 : i32
        %dma_wait3A_143 = tpu.memref_slice %arg10[%add3A_136, %dma_wait3A_142] : memref<40x128xi32, #tpu.memory_space<vmem>> -> memref<1x128xi32, #tpu.memory_space<vmem>>
        %dma_wait3A_144 = tpu.memref_squeeze %dma_wait3A_143 : memref<1x128xi32, #tpu.memory_space<vmem>> -> memref<128xi32, #tpu.memory_space<vmem>>
        %dma_wait3A_145 = arith.constant 0 : i32
        %dma_wait3A_146 = tpu.memref_slice %arg17[%dma_wait3A_145] : memref<10240xf32, #tpu.memory_space<vmem_shared>> -> memref<10240xf32, #tpu.memory_space<vmem_shared>>
        tpu.wait_indirect_dma semaphore(%run_scoped3A : memref<!tpu.dma_semaphore, #tpu.memory_space<semaphore_mem>>) src(%arg16 : memref<128xf32, #tpu.memory_space<vmem>>) dst(%dma_wait3A_146 : memref<10240xf32, #tpu.memory_space<vmem_shared>>)
        tpu.yield
      }) : () -> ()
    }
    %scan3A_82 = arith.constant 20 : i32
    %dma_wait3A_83 = arith.constant 0 : i32
    %dma_wait3A_84 = arith.constant 0 : i32
    %dma_wait3A_85 = tpu.memref_slice %arg9[%dma_wait3A_83, %dma_wait3A_84] : memref<40x128xi32, #tpu.memory_space<vmem>> -> memref<1x128xi32, #tpu.memory_space<vmem>>
    %dma_wait3A_86 = tpu.memref_squeeze %dma_wait3A_85 : memref<1x128xi32, #tpu.memory_space<vmem>> -> memref<128xi32, #tpu.memory_space<vmem>>
    %dma_wait3A_87 = arith.constant 0 : i32
    %dma_wait3A_88 = arith.constant 0 : i32
    %dma_wait3A_89 = tpu.memref_slice %arg2[%dma_wait3A_87, %dma_wait3A_88] : memref<10000x128xf32, #tpu.memory_space<hbm>> -> memref<10000x128xf32, #tpu.memory_space<hbm>>
    tpu.wait_indirect_dma semaphore(%arg14 : memref<!tpu.dma_semaphore, #tpu.memory_space<semaphore_mem>>) src(%dma_wait3A_89 : memref<10000x128xf32, #tpu.memory_space<hbm>>) dst(%arg11 : memref<128x128xf32, #tpu.memory_space<vmem>>)
    %barrier3A_90 = arith.constant 0 : index
    tpu.barrier barrier_id(%barrier3A_90)
    %mul3A_91 = arith.constant 640 : i32
    %mul3A_92 = arith.muli %arg1, %mul3A_91 : i32
    %mul3A_93 = arith.constant 640 : i32
    %mul3A_94 = arith.muli %arg1, %mul3A_93 : i32
    "tpu.region"() ({
      %run_scoped3A = tpu.sem_alloc : memref<!tpu.dma_semaphore, #tpu.memory_space<semaphore_mem>>
      %dma_start3A_99 = arith.constant 0 : i32
      %dma_start3A_100 = tpu.memref_slice %arg7[%arg0, %mul3A_94, %dma_start3A_99] : memref<2x10240x128xf32, #tpu.memory_space<hbm>> -> memref<1x640x128xf32, #tpu.memory_space<hbm>>
      %dma_start3A_101 = tpu.memref_squeeze %dma_start3A_100 : memref<1x640x128xf32, #tpu.memory_space<hbm>> -> memref<640x128xf32, #tpu.memory_space<hbm>>
      %dma_start3A_102 = arith.constant 0 : i32
      %dma_start3A_103 = tpu.memref_slice %arg13[%mul3A_92, %dma_start3A_102] : memref<10240x128xf32, #tpu.memory_space<vmem_shared>> -> memref<640x128xf32, #tpu.memory_space<vmem_shared>>
      tpu.enqueue_dma source(%dma_start3A_103 : memref<640x128xf32, #tpu.memory_space<vmem_shared>>) target(%dma_start3A_101 : memref<640x128xf32, #tpu.memory_space<hbm>>) target_semaphore(%run_scoped3A : memref<!tpu.dma_semaphore, #tpu.memory_space<semaphore_mem>>)
      %dma_wait3A_104 = arith.constant 0 : i32
      %dma_wait3A_105 = tpu.memref_slice %arg7[%arg0, %mul3A_94, %dma_wait3A_104] : memref<2x10240x128xf32, #tpu.memory_space<hbm>> -> memref<1x640x128xf32, #tpu.memory_space<hbm>>
      %dma_wait3A_106 = tpu.memref_squeeze %dma_wait3A_105 : memref<1x640x128xf32, #tpu.memory_space<hbm>> -> memref<640x128xf32, #tpu.memory_space<hbm>>
      %dma_wait3A_107 = arith.constant 0 : i32
      %dma_wait3A_108 = tpu.memref_slice %arg13[%mul3A_92, %dma_wait3A_107] : memref<10240x128xf32, #tpu.memory_space<vmem_shared>> -> memref<640x128xf32, #tpu.memory_space<vmem_shared>>
      tpu.wait_dma2 semaphore(%run_scoped3A : memref<!tpu.dma_semaphore, #tpu.memory_space<semaphore_mem>>) src(%dma_wait3A_108 : memref<640x128xf32, #tpu.memory_space<vmem_shared>>) dst(%dma_wait3A_106 : memref<640x128xf32, #tpu.memory_space<hbm>>)
      tpu.yield
    }) : () -> ()
    %mul3A_95 = arith.constant 640 : i32
    %mul3A_96 = arith.muli %arg1, %mul3A_95 : i32
    %mul3A_97 = arith.constant 640 : i32
    %mul3A_98 = arith.muli %arg1, %mul3A_97 : i32
    "tpu.region"() ({
      %run_scoped3A = tpu.sem_alloc : memref<!tpu.dma_semaphore, #tpu.memory_space<semaphore_mem>>
      %dma_start3A_99 = tpu.memref_slice %arg8[%arg0, %mul3A_98] : memref<2x10240xf32, #tpu.memory_space<hbm>> -> memref<1x640xf32, #tpu.memory_space<hbm>>
      %dma_start3A_100 = tpu.memref_squeeze %dma_start3A_99 : memref<1x640xf32, #tpu.memory_space<hbm>> -> memref<640xf32, #tpu.memory_space<hbm>>
      %dma_start3A_101 = tpu.memref_slice %arg17[%mul3A_96] : memref<10240xf32, #tpu.memory_space<vmem_shared>> -> memref<640xf32, #tpu.memory_space<vmem_shared>>
      tpu.enqueue_dma source(%dma_start3A_101 : memref<640xf32, #tpu.memory_space<vmem_shared>>) target(%dma_start3A_100 : memref<640xf32, #tpu.memory_space<hbm>>) target_semaphore(%run_scoped3A : memref<!tpu.dma_semaphore, #tpu.memory_space<semaphore_mem>>)
      %dma_wait3A_102 = tpu.memref_slice %arg8[%arg0, %mul3A_98] : memref<2x10240xf32, #tpu.memory_space<hbm>> -> memref<1x640xf32, #tpu.memory_space<hbm>>
      %dma_wait3A_103 = tpu.memref_squeeze %dma_wait3A_102 : memref<1x640xf32, #tpu.memory_space<hbm>> -> memref<640xf32, #tpu.memory_space<hbm>>
      %dma_wait3A_104 = tpu.memref_slice %arg17[%mul3A_96] : memref<10240xf32, #tpu.memory_space<vmem_shared>> -> memref<640xf32, #tpu.memory_space<vmem_shared>>
      tpu.wait_dma2 semaphore(%run_scoped3A : memref<!tpu.dma_semaphore, #tpu.memory_space<semaphore_mem>>) src(%dma_wait3A_104 : memref<640xf32, #tpu.memory_space<vmem_shared>>) dst(%dma_wait3A_103 : memref<640xf32, #tpu.memory_space<hbm>>)
      tpu.yield
    }) : () -> ()
    return
  }
}

#map = affine_map<(d0, d1) -> (0, 0)>
#map1 = affine_map<(d0, d1) -> (0, 0, 0)>
module attributes {stable_mosaic.version = 14 : i64} {
  func.func @body(%arg0: i32, %arg1: i32, %arg2: memref<10000x128xf32, #tpu.memory_space<hbm>>, %arg3: memref<32x80x128xi32, #tpu.memory_space<hbm>>, %arg4: memref<32x80x128xi32, #tpu.memory_space<hbm>>, %arg5: memref<2x10240x128xf32, #tpu.memory_space<hbm>>, %arg6: memref<2x10240xf32, #tpu.memory_space<hbm>>, %arg7: memref<2x10240x128xf32, #tpu.memory_space<hbm>>, %arg8: memref<40x128xi32, #tpu.memory_space<vmem>>, %arg9: memref<40x128xi32, #tpu.memory_space<vmem>>, %arg10: memref<128x128xf32, #tpu.memory_space<vmem>>, %arg11: memref<128x128xf32, #tpu.memory_space<vmem>>, %arg12: memref<10240x128xf32, #tpu.memory_space<vmem_shared>>, %arg13: memref<!tpu.dma_semaphore, #tpu.memory_space<semaphore_mem>>, %arg14: memref<!tpu.dma_semaphore, #tpu.memory_space<semaphore_mem>>) attributes {dimension_semantics = [#tpu.dimension_semantics<core_parallel>, #tpu.dimension_semantics<subcore_parallel>], iteration_bounds = array<i64: 2, 16>, scalar_prefetch = 0 : i64, scratch_operands = 7 : i64, tpu.core_type = #tpu.core_type<sc_vector_subcore>, window_params = [{transform_indices = #map}, {transform_indices = #map1}, {transform_indices = #map1}, {transform_indices = #map1}, {transform_indices = #map}, {transform_indices = #map1}]} {
    %mul3A = arith.constant 16 : i32
    %mul3A_0 = arith.muli %arg0, %mul3A : i32
    %add3A = arith.addi %mul3A_0, %arg1 : i32
    %mul3A_1 = arith.constant 640 : i32
    %mul3A_2 = arith.muli %arg1, %mul3A_1 : i32
    %mul3A_3 = arith.constant 640 : i32
    %mul3A_4 = arith.muli %arg1, %mul3A_3 : i32
    "tpu.region"() ({
      %run_scoped3A = tpu.sem_alloc : memref<!tpu.dma_semaphore, #tpu.memory_space<semaphore_mem>>
      %dma_start3A_45 = arith.constant 0 : i32
      %dma_start3A_46 = tpu.memref_slice %arg12[%mul3A_4, %dma_start3A_45] : memref<10240x128xf32, #tpu.memory_space<vmem_shared>> -> memref<640x128xf32, #tpu.memory_space<vmem_shared>>
      %dma_start3A_47 = arith.constant 0 : i32
      %dma_start3A_48 = tpu.memref_slice %arg5[%arg0, %mul3A_2, %dma_start3A_47] : memref<2x10240x128xf32, #tpu.memory_space<hbm>> -> memref<1x640x128xf32, #tpu.memory_space<hbm>>
      %dma_start3A_49 = tpu.memref_squeeze %dma_start3A_48 : memref<1x640x128xf32, #tpu.memory_space<hbm>> -> memref<640x128xf32, #tpu.memory_space<hbm>>
      tpu.enqueue_dma source(%dma_start3A_49 : memref<640x128xf32, #tpu.memory_space<hbm>>) target(%dma_start3A_46 : memref<640x128xf32, #tpu.memory_space<vmem_shared>>) target_semaphore(%run_scoped3A : memref<!tpu.dma_semaphore, #tpu.memory_space<semaphore_mem>>)
      %dma_wait3A_50 = arith.constant 0 : i32
      %dma_wait3A_51 = tpu.memref_slice %arg12[%mul3A_4, %dma_wait3A_50] : memref<10240x128xf32, #tpu.memory_space<vmem_shared>> -> memref<640x128xf32, #tpu.memory_space<vmem_shared>>
      %dma_wait3A_52 = arith.constant 0 : i32
      %dma_wait3A_53 = tpu.memref_slice %arg5[%arg0, %mul3A_2, %dma_wait3A_52] : memref<2x10240x128xf32, #tpu.memory_space<hbm>> -> memref<1x640x128xf32, #tpu.memory_space<hbm>>
      %dma_wait3A_54 = tpu.memref_squeeze %dma_wait3A_53 : memref<1x640x128xf32, #tpu.memory_space<hbm>> -> memref<640x128xf32, #tpu.memory_space<hbm>>
      tpu.wait_dma2 semaphore(%run_scoped3A : memref<!tpu.dma_semaphore, #tpu.memory_space<semaphore_mem>>) src(%dma_wait3A_54 : memref<640x128xf32, #tpu.memory_space<hbm>>) dst(%dma_wait3A_51 : memref<640x128xf32, #tpu.memory_space<vmem_shared>>)
      tpu.yield
    }) : () -> ()
    %barrier3A = arith.constant 0 : index
    tpu.barrier barrier_id(%barrier3A)
    "tpu.region"() ({
      %run_scoped3A = tpu.sem_alloc : memref<!tpu.dma_semaphore, #tpu.memory_space<semaphore_mem>>
      %dma_start3A_45 = arith.constant 0 : i32
      %dma_start3A_46 = arith.constant 0 : i32
      %dma_start3A_47 = tpu.memref_slice %arg3[%add3A, %dma_start3A_45, %dma_start3A_46] : memref<32x80x128xi32, #tpu.memory_space<hbm>> -> memref<1x40x128xi32, #tpu.memory_space<hbm>>
      %dma_start3A_48 = tpu.memref_squeeze %dma_start3A_47 : memref<1x40x128xi32, #tpu.memory_space<hbm>> -> memref<40x128xi32, #tpu.memory_space<hbm>>
      %dma_start3A_49 = arith.constant 0 : i32
      %dma_start3A_50 = arith.constant 0 : i32
      %dma_start3A_51 = tpu.memref_slice %arg3[%add3A, %dma_start3A_49, %dma_start3A_50] : memref<32x80x128xi32, #tpu.memory_space<hbm>> -> memref<1x40x128xi32, #tpu.memory_space<hbm>>
      %dma_start3A_52 = tpu.memref_squeeze %dma_start3A_51 : memref<1x40x128xi32, #tpu.memory_space<hbm>> -> memref<40x128xi32, #tpu.memory_space<hbm>>
      tpu.enqueue_dma source(%dma_start3A_52 : memref<40x128xi32, #tpu.memory_space<hbm>>) target(%arg8 : memref<40x128xi32, #tpu.memory_space<vmem>>) target_semaphore(%run_scoped3A : memref<!tpu.dma_semaphore, #tpu.memory_space<semaphore_mem>>)
      %dma_wait3A_53 = arith.constant 0 : i32
      %dma_wait3A_54 = arith.constant 0 : i32
      %dma_wait3A_55 = tpu.memref_slice %arg3[%add3A, %dma_wait3A_53, %dma_wait3A_54] : memref<32x80x128xi32, #tpu.memory_space<hbm>> -> memref<1x40x128xi32, #tpu.memory_space<hbm>>
      %dma_wait3A_56 = tpu.memref_squeeze %dma_wait3A_55 : memref<1x40x128xi32, #tpu.memory_space<hbm>> -> memref<40x128xi32, #tpu.memory_space<hbm>>
      %dma_wait3A_57 = arith.constant 0 : i32
      %dma_wait3A_58 = arith.constant 0 : i32
      %dma_wait3A_59 = tpu.memref_slice %arg3[%add3A, %dma_wait3A_57, %dma_wait3A_58] : memref<32x80x128xi32, #tpu.memory_space<hbm>> -> memref<1x40x128xi32, #tpu.memory_space<hbm>>
      %dma_wait3A_60 = tpu.memref_squeeze %dma_wait3A_59 : memref<1x40x128xi32, #tpu.memory_space<hbm>> -> memref<40x128xi32, #tpu.memory_space<hbm>>
      tpu.wait_dma2 semaphore(%run_scoped3A : memref<!tpu.dma_semaphore, #tpu.memory_space<semaphore_mem>>) src(%dma_wait3A_60 : memref<40x128xi32, #tpu.memory_space<hbm>>) dst(%arg8 : memref<40x128xi32, #tpu.memory_space<vmem>>)
      tpu.yield
    }) : () -> ()
    "tpu.region"() ({
      %run_scoped3A = tpu.sem_alloc : memref<!tpu.dma_semaphore, #tpu.memory_space<semaphore_mem>>
      %dma_start3A_45 = arith.constant 0 : i32
      %dma_start3A_46 = arith.constant 0 : i32
      %dma_start3A_47 = tpu.memref_slice %arg4[%add3A, %dma_start3A_45, %dma_start3A_46] : memref<32x80x128xi32, #tpu.memory_space<hbm>> -> memref<1x40x128xi32, #tpu.memory_space<hbm>>
      %dma_start3A_48 = tpu.memref_squeeze %dma_start3A_47 : memref<1x40x128xi32, #tpu.memory_space<hbm>> -> memref<40x128xi32, #tpu.memory_space<hbm>>
      %dma_start3A_49 = arith.constant 0 : i32
      %dma_start3A_50 = arith.constant 0 : i32
      %dma_start3A_51 = tpu.memref_slice %arg4[%add3A, %dma_start3A_49, %dma_start3A_50] : memref<32x80x128xi32, #tpu.memory_space<hbm>> -> memref<1x40x128xi32, #tpu.memory_space<hbm>>
      %dma_start3A_52 = tpu.memref_squeeze %dma_start3A_51 : memref<1x40x128xi32, #tpu.memory_space<hbm>> -> memref<40x128xi32, #tpu.memory_space<hbm>>
      tpu.enqueue_dma source(%dma_start3A_52 : memref<40x128xi32, #tpu.memory_space<hbm>>) target(%arg9 : memref<40x128xi32, #tpu.memory_space<vmem>>) target_semaphore(%run_scoped3A : memref<!tpu.dma_semaphore, #tpu.memory_space<semaphore_mem>>)
      %dma_wait3A_53 = arith.constant 0 : i32
      %dma_wait3A_54 = arith.constant 0 : i32
      %dma_wait3A_55 = tpu.memref_slice %arg4[%add3A, %dma_wait3A_53, %dma_wait3A_54] : memref<32x80x128xi32, #tpu.memory_space<hbm>> -> memref<1x40x128xi32, #tpu.memory_space<hbm>>
      %dma_wait3A_56 = tpu.memref_squeeze %dma_wait3A_55 : memref<1x40x128xi32, #tpu.memory_space<hbm>> -> memref<40x128xi32, #tpu.memory_space<hbm>>
      %dma_wait3A_57 = arith.constant 0 : i32
      %dma_wait3A_58 = arith.constant 0 : i32
      %dma_wait3A_59 = tpu.memref_slice %arg4[%add3A, %dma_wait3A_57, %dma_wait3A_58] : memref<32x80x128xi32, #tpu.memory_space<hbm>> -> memref<1x40x128xi32, #tpu.memory_space<hbm>>
      %dma_wait3A_60 = tpu.memref_squeeze %dma_wait3A_59 : memref<1x40x128xi32, #tpu.memory_space<hbm>> -> memref<40x128xi32, #tpu.memory_space<hbm>>
      tpu.wait_dma2 semaphore(%run_scoped3A : memref<!tpu.dma_semaphore, #tpu.memory_space<semaphore_mem>>) src(%dma_wait3A_60 : memref<40x128xi32, #tpu.memory_space<hbm>>) dst(%arg9 : memref<40x128xi32, #tpu.memory_space<vmem>>)
      tpu.yield
    }) : () -> ()
    %dma_start3A = arith.constant 0 : i32
    %dma_start3A_5 = arith.constant 0 : i32
    %dma_start3A_6 = tpu.memref_slice %arg8[%dma_start3A, %dma_start3A_5] : memref<40x128xi32, #tpu.memory_space<vmem>> -> memref<1x128xi32, #tpu.memory_space<vmem>>
    %dma_start3A_7 = tpu.memref_squeeze %dma_start3A_6 : memref<1x128xi32, #tpu.memory_space<vmem>> -> memref<128xi32, #tpu.memory_space<vmem>>
    %dma_start3A_8 = arith.constant 0 : i32
    %dma_start3A_9 = arith.constant 0 : i32
    %dma_start3A_10 = tpu.memref_slice %arg2[%dma_start3A_8, %dma_start3A_9] : memref<10000x128xf32, #tpu.memory_space<hbm>> -> memref<10000x128xf32, #tpu.memory_space<hbm>>
    tpu.enqueue_indirect_dma source(%dma_start3A_10 : memref<10000x128xf32, #tpu.memory_space<hbm>>) target(%arg10 : memref<128x128xf32, #tpu.memory_space<vmem>>) offsets(%dma_start3A_7 : memref<128xi32, #tpu.memory_space<vmem>>) semaphore(%arg13 : memref<!tpu.dma_semaphore, #tpu.memory_space<semaphore_mem>>)
    %scan3A = arith.constant 0 : i32
    %scan3A_11 = arith.constant 20 : i32
    %scan3A_12 = arith.addi %scan3A, %scan3A_11 : i32
    %scan3A_13 = arith.constant 1 : i32
    scf.for %scan3A_45 = %scan3A to %scan3A_12 step %scan3A_13  : i32 {
      %mul3A_46 = arith.constant 2 : i32
      %mul3A_47 = arith.muli %mul3A_46, %scan3A_45 : i32
      %add3A_48 = arith.constant 1 : i32
      %add3A_49 = arith.addi %mul3A_47, %add3A_48 : i32
      %dma_start3A_50 = arith.constant 0 : i32
      %dma_start3A_51 = tpu.memref_slice %arg8[%add3A_49, %dma_start3A_50] : memref<40x128xi32, #tpu.memory_space<vmem>> -> memref<1x128xi32, #tpu.memory_space<vmem>>
      %dma_start3A_52 = tpu.memref_squeeze %dma_start3A_51 : memref<1x128xi32, #tpu.memory_space<vmem>> -> memref<128xi32, #tpu.memory_space<vmem>>
      %dma_start3A_53 = arith.constant 0 : i32
      %dma_start3A_54 = arith.constant 0 : i32
      %dma_start3A_55 = tpu.memref_slice %arg2[%dma_start3A_53, %dma_start3A_54] : memref<10000x128xf32, #tpu.memory_space<hbm>> -> memref<10000x128xf32, #tpu.memory_space<hbm>>
      tpu.enqueue_indirect_dma source(%dma_start3A_55 : memref<10000x128xf32, #tpu.memory_space<hbm>>) target(%arg11 : memref<128x128xf32, #tpu.memory_space<vmem>>) offsets(%dma_start3A_52 : memref<128xi32, #tpu.memory_space<vmem>>) semaphore(%arg14 : memref<!tpu.dma_semaphore, #tpu.memory_space<semaphore_mem>>)
      %dma_wait3A_56 = arith.constant 0 : i32
      %dma_wait3A_57 = tpu.memref_slice %arg8[%mul3A_47, %dma_wait3A_56] : memref<40x128xi32, #tpu.memory_space<vmem>> -> memref<1x128xi32, #tpu.memory_space<vmem>>
      %dma_wait3A_58 = tpu.memref_squeeze %dma_wait3A_57 : memref<1x128xi32, #tpu.memory_space<vmem>> -> memref<128xi32, #tpu.memory_space<vmem>>
      %dma_wait3A_59 = arith.constant 0 : i32
      %dma_wait3A_60 = arith.constant 0 : i32
      %dma_wait3A_61 = tpu.memref_slice %arg2[%dma_wait3A_59, %dma_wait3A_60] : memref<10000x128xf32, #tpu.memory_space<hbm>> -> memref<10000x128xf32, #tpu.memory_space<hbm>>
      tpu.wait_indirect_dma semaphore(%arg13 : memref<!tpu.dma_semaphore, #tpu.memory_space<semaphore_mem>>) src(%dma_wait3A_61 : memref<10000x128xf32, #tpu.memory_space<hbm>>) dst(%arg10 : memref<128x128xf32, #tpu.memory_space<vmem>>)
      "tpu.region"() ({
        %run_scoped3A = tpu.sem_alloc : memref<!tpu.dma_semaphore, #tpu.memory_space<semaphore_mem>>
        %dma_start3A_81 = arith.constant 0 : i32
        %dma_start3A_82 = tpu.memref_slice %arg9[%mul3A_47, %dma_start3A_81] : memref<40x128xi32, #tpu.memory_space<vmem>> -> memref<1x128xi32, #tpu.memory_space<vmem>>
        %dma_start3A_83 = tpu.memref_squeeze %dma_start3A_82 : memref<1x128xi32, #tpu.memory_space<vmem>> -> memref<128xi32, #tpu.memory_space<vmem>>
        %dma_start3A_84 = arith.constant 0 : i32
        %dma_start3A_85 = arith.constant 0 : i32
        %dma_start3A_86 = tpu.memref_slice %arg12[%dma_start3A_84, %dma_start3A_85] : memref<10240x128xf32, #tpu.memory_space<vmem_shared>> -> memref<10240x128xf32, #tpu.memory_space<vmem_shared>>
        tpu.enqueue_indirect_dma source(%arg10 : memref<128x128xf32, #tpu.memory_space<vmem>>) target(%dma_start3A_86 : memref<10240x128xf32, #tpu.memory_space<vmem_shared>>) offsets(%dma_start3A_83 : memref<128xi32, #tpu.memory_space<vmem>>) semaphore(%run_scoped3A : memref<!tpu.dma_semaphore, #tpu.memory_space<semaphore_mem>>) {add = true}
        %dma_wait3A_87 = arith.constant 0 : i32
        %dma_wait3A_88 = tpu.memref_slice %arg9[%mul3A_47, %dma_wait3A_87] : memref<40x128xi32, #tpu.memory_space<vmem>> -> memref<1x128xi32, #tpu.memory_space<vmem>>
        %dma_wait3A_89 = tpu.memref_squeeze %dma_wait3A_88 : memref<1x128xi32, #tpu.memory_space<vmem>> -> memref<128xi32, #tpu.memory_space<vmem>>
        %dma_wait3A_90 = arith.constant 0 : i32
        %dma_wait3A_91 = arith.constant 0 : i32
        %dma_wait3A_92 = tpu.memref_slice %arg12[%dma_wait3A_90, %dma_wait3A_91] : memref<10240x128xf32, #tpu.memory_space<vmem_shared>> -> memref<10240x128xf32, #tpu.memory_space<vmem_shared>>
        tpu.wait_indirect_dma semaphore(%run_scoped3A : memref<!tpu.dma_semaphore, #tpu.memory_space<semaphore_mem>>) src(%arg10 : memref<128x128xf32, #tpu.memory_space<vmem>>) dst(%dma_wait3A_92 : memref<10240x128xf32, #tpu.memory_space<vmem_shared>>)
        tpu.yield
      }) : () -> ()
      %add3A_62 = arith.constant 2 : i32
      %add3A_63 = arith.addi %mul3A_47, %add3A_62 : i32
      %min3A = arith.constant 38 : i32
      %min3A_64 = arith.minsi %add3A_63, %min3A : i32
      %dma_start3A_65 = arith.constant 0 : i32
      %dma_start3A_66 = tpu.memref_slice %arg8[%min3A_64, %dma_start3A_65] : memref<40x128xi32, #tpu.memory_space<vmem>> -> memref<1x128xi32, #tpu.memory_space<vmem>>
      %dma_start3A_67 = tpu.memref_squeeze %dma_start3A_66 : memref<1x128xi32, #tpu.memory_space<vmem>> -> memref<128xi32, #tpu.memory_space<vmem>>
      %dma_start3A_68 = arith.constant 0 : i32
      %dma_start3A_69 = arith.constant 0 : i32
      %dma_start3A_70 = tpu.memref_slice %arg2[%dma_start3A_68, %dma_start3A_69] : memref<10000x128xf32, #tpu.memory_space<hbm>> -> memref<10000x128xf32, #tpu.memory_space<hbm>>
      tpu.enqueue_indirect_dma source(%dma_start3A_70 : memref<10000x128xf32, #tpu.memory_space<hbm>>) target(%arg10 : memref<128x128xf32, #tpu.memory_space<vmem>>) offsets(%dma_start3A_67 : memref<128xi32, #tpu.memory_space<vmem>>) semaphore(%arg13 : memref<!tpu.dma_semaphore, #tpu.memory_space<semaphore_mem>>)
      %add3A_71 = arith.constant 1 : i32
      %add3A_72 = arith.addi %mul3A_47, %add3A_71 : i32
      %dma_wait3A_73 = arith.constant 0 : i32
      %dma_wait3A_74 = tpu.memref_slice %arg8[%add3A_72, %dma_wait3A_73] : memref<40x128xi32, #tpu.memory_space<vmem>> -> memref<1x128xi32, #tpu.memory_space<vmem>>
      %dma_wait3A_75 = tpu.memref_squeeze %dma_wait3A_74 : memref<1x128xi32, #tpu.memory_space<vmem>> -> memref<128xi32, #tpu.memory_space<vmem>>
      %dma_wait3A_76 = arith.constant 0 : i32
      %dma_wait3A_77 = arith.constant 0 : i32
      %dma_wait3A_78 = tpu.memref_slice %arg2[%dma_wait3A_76, %dma_wait3A_77] : memref<10000x128xf32, #tpu.memory_space<hbm>> -> memref<10000x128xf32, #tpu.memory_space<hbm>>
      tpu.wait_indirect_dma semaphore(%arg14 : memref<!tpu.dma_semaphore, #tpu.memory_space<semaphore_mem>>) src(%dma_wait3A_78 : memref<10000x128xf32, #tpu.memory_space<hbm>>) dst(%arg11 : memref<128x128xf32, #tpu.memory_space<vmem>>)
      %add3A_79 = arith.constant 1 : i32
      %add3A_80 = arith.addi %mul3A_47, %add3A_79 : i32
      "tpu.region"() ({
        %run_scoped3A = tpu.sem_alloc : memref<!tpu.dma_semaphore, #tpu.memory_space<semaphore_mem>>
        %dma_start3A_81 = arith.constant 0 : i32
        %dma_start3A_82 = tpu.memref_slice %arg9[%add3A_80, %dma_start3A_81] : memref<40x128xi32, #tpu.memory_space<vmem>> -> memref<1x128xi32, #tpu.memory_space<vmem>>
        %dma_start3A_83 = tpu.memref_squeeze %dma_start3A_82 : memref<1x128xi32, #tpu.memory_space<vmem>> -> memref<128xi32, #tpu.memory_space<vmem>>
        %dma_start3A_84 = arith.constant 0 : i32
        %dma_start3A_85 = arith.constant 0 : i32
        %dma_start3A_86 = tpu.memref_slice %arg12[%dma_start3A_84, %dma_start3A_85] : memref<10240x128xf32, #tpu.memory_space<vmem_shared>> -> memref<10240x128xf32, #tpu.memory_space<vmem_shared>>
        tpu.enqueue_indirect_dma source(%arg11 : memref<128x128xf32, #tpu.memory_space<vmem>>) target(%dma_start3A_86 : memref<10240x128xf32, #tpu.memory_space<vmem_shared>>) offsets(%dma_start3A_83 : memref<128xi32, #tpu.memory_space<vmem>>) semaphore(%run_scoped3A : memref<!tpu.dma_semaphore, #tpu.memory_space<semaphore_mem>>) {add = true}
        %dma_wait3A_87 = arith.constant 0 : i32
        %dma_wait3A_88 = tpu.memref_slice %arg9[%add3A_80, %dma_wait3A_87] : memref<40x128xi32, #tpu.memory_space<vmem>> -> memref<1x128xi32, #tpu.memory_space<vmem>>
        %dma_wait3A_89 = tpu.memref_squeeze %dma_wait3A_88 : memref<1x128xi32, #tpu.memory_space<vmem>> -> memref<128xi32, #tpu.memory_space<vmem>>
        %dma_wait3A_90 = arith.constant 0 : i32
        %dma_wait3A_91 = arith.constant 0 : i32
        %dma_wait3A_92 = tpu.memref_slice %arg12[%dma_wait3A_90, %dma_wait3A_91] : memref<10240x128xf32, #tpu.memory_space<vmem_shared>> -> memref<10240x128xf32, #tpu.memory_space<vmem_shared>>
        tpu.wait_indirect_dma semaphore(%run_scoped3A : memref<!tpu.dma_semaphore, #tpu.memory_space<semaphore_mem>>) src(%arg11 : memref<128x128xf32, #tpu.memory_space<vmem>>) dst(%dma_wait3A_92 : memref<10240x128xf32, #tpu.memory_space<vmem_shared>>)
        tpu.yield
      }) : () -> ()
    }
    %scan3A_14 = arith.constant 20 : i32
    %dma_wait3A = arith.constant 0 : i32
    %dma_wait3A_15 = arith.constant 0 : i32
    %dma_wait3A_16 = tpu.memref_slice %arg8[%dma_wait3A, %dma_wait3A_15] : memref<40x128xi32, #tpu.memory_space<vmem>> -> memref<1x128xi32, #tpu.memory_space<vmem>>
    %dma_wait3A_17 = tpu.memref_squeeze %dma_wait3A_16 : memref<1x128xi32, #tpu.memory_space<vmem>> -> memref<128xi32, #tpu.memory_space<vmem>>
    %dma_wait3A_18 = arith.constant 0 : i32
    %dma_wait3A_19 = arith.constant 0 : i32
    %dma_wait3A_20 = tpu.memref_slice %arg2[%dma_wait3A_18, %dma_wait3A_19] : memref<10000x128xf32, #tpu.memory_space<hbm>> -> memref<10000x128xf32, #tpu.memory_space<hbm>>
    tpu.wait_indirect_dma semaphore(%arg13 : memref<!tpu.dma_semaphore, #tpu.memory_space<semaphore_mem>>) src(%dma_wait3A_20 : memref<10000x128xf32, #tpu.memory_space<hbm>>) dst(%arg10 : memref<128x128xf32, #tpu.memory_space<vmem>>)
    "tpu.region"() ({
      %run_scoped3A = tpu.sem_alloc : memref<!tpu.dma_semaphore, #tpu.memory_space<semaphore_mem>>
      %dma_start3A_45 = arith.constant 40 : i32
      %dma_start3A_46 = arith.constant 0 : i32
      %dma_start3A_47 = tpu.memref_slice %arg3[%add3A, %dma_start3A_45, %dma_start3A_46] : memref<32x80x128xi32, #tpu.memory_space<hbm>> -> memref<1x40x128xi32, #tpu.memory_space<hbm>>
      %dma_start3A_48 = tpu.memref_squeeze %dma_start3A_47 : memref<1x40x128xi32, #tpu.memory_space<hbm>> -> memref<40x128xi32, #tpu.memory_space<hbm>>
      %dma_start3A_49 = arith.constant 40 : i32
      %dma_start3A_50 = arith.constant 0 : i32
      %dma_start3A_51 = tpu.memref_slice %arg3[%add3A, %dma_start3A_49, %dma_start3A_50] : memref<32x80x128xi32, #tpu.memory_space<hbm>> -> memref<1x40x128xi32, #tpu.memory_space<hbm>>
      %dma_start3A_52 = tpu.memref_squeeze %dma_start3A_51 : memref<1x40x128xi32, #tpu.memory_space<hbm>> -> memref<40x128xi32, #tpu.memory_space<hbm>>
      tpu.enqueue_dma source(%dma_start3A_52 : memref<40x128xi32, #tpu.memory_space<hbm>>) target(%arg8 : memref<40x128xi32, #tpu.memory_space<vmem>>) target_semaphore(%run_scoped3A : memref<!tpu.dma_semaphore, #tpu.memory_space<semaphore_mem>>)
      %dma_wait3A_53 = arith.constant 40 : i32
      %dma_wait3A_54 = arith.constant 0 : i32
      %dma_wait3A_55 = tpu.memref_slice %arg3[%add3A, %dma_wait3A_53, %dma_wait3A_54] : memref<32x80x128xi32, #tpu.memory_space<hbm>> -> memref<1x40x128xi32, #tpu.memory_space<hbm>>
      %dma_wait3A_56 = tpu.memref_squeeze %dma_wait3A_55 : memref<1x40x128xi32, #tpu.memory_space<hbm>> -> memref<40x128xi32, #tpu.memory_space<hbm>>
      %dma_wait3A_57 = arith.constant 40 : i32
      %dma_wait3A_58 = arith.constant 0 : i32
      %dma_wait3A_59 = tpu.memref_slice %arg3[%add3A, %dma_wait3A_57, %dma_wait3A_58] : memref<32x80x128xi32, #tpu.memory_space<hbm>> -> memref<1x40x128xi32, #tpu.memory_space<hbm>>
      %dma_wait3A_60 = tpu.memref_squeeze %dma_wait3A_59 : memref<1x40x128xi32, #tpu.memory_space<hbm>> -> memref<40x128xi32, #tpu.memory_space<hbm>>
      tpu.wait_dma2 semaphore(%run_scoped3A : memref<!tpu.dma_semaphore, #tpu.memory_space<semaphore_mem>>) src(%dma_wait3A_60 : memref<40x128xi32, #tpu.memory_space<hbm>>) dst(%arg8 : memref<40x128xi32, #tpu.memory_space<vmem>>)
      tpu.yield
    }) : () -> ()
    "tpu.region"() ({
      %run_scoped3A = tpu.sem_alloc : memref<!tpu.dma_semaphore, #tpu.memory_space<semaphore_mem>>
      %dma_start3A_45 = arith.constant 40 : i32
      %dma_start3A_46 = arith.constant 0 : i32
      %dma_start3A_47 = tpu.memref_slice %arg4[%add3A, %dma_start3A_45, %dma_start3A_46] : memref<32x80x128xi32, #tpu.memory_space<hbm>> -> memref<1x40x128xi32, #tpu.memory_space<hbm>>
      %dma_start3A_48 = tpu.memref_squeeze %dma_start3A_47 : memref<1x40x128xi32, #tpu.memory_space<hbm>> -> memref<40x128xi32, #tpu.memory_space<hbm>>
      %dma_start3A_49 = arith.constant 40 : i32
      %dma_start3A_50 = arith.constant 0 : i32
      %dma_start3A_51 = tpu.memref_slice %arg4[%add3A, %dma_start3A_49, %dma_start3A_50] : memref<32x80x128xi32, #tpu.memory_space<hbm>> -> memref<1x40x128xi32, #tpu.memory_space<hbm>>
      %dma_start3A_52 = tpu.memref_squeeze %dma_start3A_51 : memref<1x40x128xi32, #tpu.memory_space<hbm>> -> memref<40x128xi32, #tpu.memory_space<hbm>>
      tpu.enqueue_dma source(%dma_start3A_52 : memref<40x128xi32, #tpu.memory_space<hbm>>) target(%arg9 : memref<40x128xi32, #tpu.memory_space<vmem>>) target_semaphore(%run_scoped3A : memref<!tpu.dma_semaphore, #tpu.memory_space<semaphore_mem>>)
      %dma_wait3A_53 = arith.constant 40 : i32
      %dma_wait3A_54 = arith.constant 0 : i32
      %dma_wait3A_55 = tpu.memref_slice %arg4[%add3A, %dma_wait3A_53, %dma_wait3A_54] : memref<32x80x128xi32, #tpu.memory_space<hbm>> -> memref<1x40x128xi32, #tpu.memory_space<hbm>>
      %dma_wait3A_56 = tpu.memref_squeeze %dma_wait3A_55 : memref<1x40x128xi32, #tpu.memory_space<hbm>> -> memref<40x128xi32, #tpu.memory_space<hbm>>
      %dma_wait3A_57 = arith.constant 40 : i32
      %dma_wait3A_58 = arith.constant 0 : i32
      %dma_wait3A_59 = tpu.memref_slice %arg4[%add3A, %dma_wait3A_57, %dma_wait3A_58] : memref<32x80x128xi32, #tpu.memory_space<hbm>> -> memref<1x40x128xi32, #tpu.memory_space<hbm>>
      %dma_wait3A_60 = tpu.memref_squeeze %dma_wait3A_59 : memref<1x40x128xi32, #tpu.memory_space<hbm>> -> memref<40x128xi32, #tpu.memory_space<hbm>>
      tpu.wait_dma2 semaphore(%run_scoped3A : memref<!tpu.dma_semaphore, #tpu.memory_space<semaphore_mem>>) src(%dma_wait3A_60 : memref<40x128xi32, #tpu.memory_space<hbm>>) dst(%arg9 : memref<40x128xi32, #tpu.memory_space<vmem>>)
      tpu.yield
    }) : () -> ()
    %dma_start3A_21 = arith.constant 0 : i32
    %dma_start3A_22 = arith.constant 0 : i32
    %dma_start3A_23 = tpu.memref_slice %arg8[%dma_start3A_21, %dma_start3A_22] : memref<40x128xi32, #tpu.memory_space<vmem>> -> memref<1x128xi32, #tpu.memory_space<vmem>>
    %dma_start3A_24 = tpu.memref_squeeze %dma_start3A_23 : memref<1x128xi32, #tpu.memory_space<vmem>> -> memref<128xi32, #tpu.memory_space<vmem>>
    %dma_start3A_25 = arith.constant 0 : i32
    %dma_start3A_26 = arith.constant 0 : i32
    %dma_start3A_27 = tpu.memref_slice %arg2[%dma_start3A_25, %dma_start3A_26] : memref<10000x128xf32, #tpu.memory_space<hbm>> -> memref<10000x128xf32, #tpu.memory_space<hbm>>
    tpu.enqueue_indirect_dma source(%dma_start3A_27 : memref<10000x128xf32, #tpu.memory_space<hbm>>) target(%arg10 : memref<128x128xf32, #tpu.memory_space<vmem>>) offsets(%dma_start3A_24 : memref<128xi32, #tpu.memory_space<vmem>>) semaphore(%arg13 : memref<!tpu.dma_semaphore, #tpu.memory_space<semaphore_mem>>)
    %scan3A_28 = arith.constant 0 : i32
    %scan3A_29 = arith.constant 20 : i32
    %scan3A_30 = arith.addi %scan3A_28, %scan3A_29 : i32
    %scan3A_31 = arith.constant 1 : i32
    scf.for %scan3A_45 = %scan3A_28 to %scan3A_30 step %scan3A_31  : i32 {
      %mul3A_46 = arith.constant 2 : i32
      %mul3A_47 = arith.muli %mul3A_46, %scan3A_45 : i32
      %add3A_48 = arith.constant 1 : i32
      %add3A_49 = arith.addi %mul3A_47, %add3A_48 : i32
      %dma_start3A_50 = arith.constant 0 : i32
      %dma_start3A_51 = tpu.memref_slice %arg8[%add3A_49, %dma_start3A_50] : memref<40x128xi32, #tpu.memory_space<vmem>> -> memref<1x128xi32, #tpu.memory_space<vmem>>
      %dma_start3A_52 = tpu.memref_squeeze %dma_start3A_51 : memref<1x128xi32, #tpu.memory_space<vmem>> -> memref<128xi32, #tpu.memory_space<vmem>>
      %dma_start3A_53 = arith.constant 0 : i32
      %dma_start3A_54 = arith.constant 0 : i32
      %dma_start3A_55 = tpu.memref_slice %arg2[%dma_start3A_53, %dma_start3A_54] : memref<10000x128xf32, #tpu.memory_space<hbm>> -> memref<10000x128xf32, #tpu.memory_space<hbm>>
      tpu.enqueue_indirect_dma source(%dma_start3A_55 : memref<10000x128xf32, #tpu.memory_space<hbm>>) target(%arg11 : memref<128x128xf32, #tpu.memory_space<vmem>>) offsets(%dma_start3A_52 : memref<128xi32, #tpu.memory_space<vmem>>) semaphore(%arg14 : memref<!tpu.dma_semaphore, #tpu.memory_space<semaphore_mem>>)
      %dma_wait3A_56 = arith.constant 0 : i32
      %dma_wait3A_57 = tpu.memref_slice %arg8[%mul3A_47, %dma_wait3A_56] : memref<40x128xi32, #tpu.memory_space<vmem>> -> memref<1x128xi32, #tpu.memory_space<vmem>>
      %dma_wait3A_58 = tpu.memref_squeeze %dma_wait3A_57 : memref<1x128xi32, #tpu.memory_space<vmem>> -> memref<128xi32, #tpu.memory_space<vmem>>
      %dma_wait3A_59 = arith.constant 0 : i32
      %dma_wait3A_60 = arith.constant 0 : i32
      %dma_wait3A_61 = tpu.memref_slice %arg2[%dma_wait3A_59, %dma_wait3A_60] : memref<10000x128xf32, #tpu.memory_space<hbm>> -> memref<10000x128xf32, #tpu.memory_space<hbm>>
      tpu.wait_indirect_dma semaphore(%arg13 : memref<!tpu.dma_semaphore, #tpu.memory_space<semaphore_mem>>) src(%dma_wait3A_61 : memref<10000x128xf32, #tpu.memory_space<hbm>>) dst(%arg10 : memref<128x128xf32, #tpu.memory_space<vmem>>)
      "tpu.region"() ({
        %run_scoped3A = tpu.sem_alloc : memref<!tpu.dma_semaphore, #tpu.memory_space<semaphore_mem>>
        %dma_start3A_81 = arith.constant 0 : i32
        %dma_start3A_82 = tpu.memref_slice %arg9[%mul3A_47, %dma_start3A_81] : memref<40x128xi32, #tpu.memory_space<vmem>> -> memref<1x128xi32, #tpu.memory_space<vmem>>
        %dma_start3A_83 = tpu.memref_squeeze %dma_start3A_82 : memref<1x128xi32, #tpu.memory_space<vmem>> -> memref<128xi32, #tpu.memory_space<vmem>>
        %dma_start3A_84 = arith.constant 0 : i32
        %dma_start3A_85 = arith.constant 0 : i32
        %dma_start3A_86 = tpu.memref_slice %arg12[%dma_start3A_84, %dma_start3A_85] : memref<10240x128xf32, #tpu.memory_space<vmem_shared>> -> memref<10240x128xf32, #tpu.memory_space<vmem_shared>>
        tpu.enqueue_indirect_dma source(%arg10 : memref<128x128xf32, #tpu.memory_space<vmem>>) target(%dma_start3A_86 : memref<10240x128xf32, #tpu.memory_space<vmem_shared>>) offsets(%dma_start3A_83 : memref<128xi32, #tpu.memory_space<vmem>>) semaphore(%run_scoped3A : memref<!tpu.dma_semaphore, #tpu.memory_space<semaphore_mem>>) {add = true}
        %dma_wait3A_87 = arith.constant 0 : i32
        %dma_wait3A_88 = tpu.memref_slice %arg9[%mul3A_47, %dma_wait3A_87] : memref<40x128xi32, #tpu.memory_space<vmem>> -> memref<1x128xi32, #tpu.memory_space<vmem>>
        %dma_wait3A_89 = tpu.memref_squeeze %dma_wait3A_88 : memref<1x128xi32, #tpu.memory_space<vmem>> -> memref<128xi32, #tpu.memory_space<vmem>>
        %dma_wait3A_90 = arith.constant 0 : i32
        %dma_wait3A_91 = arith.constant 0 : i32
        %dma_wait3A_92 = tpu.memref_slice %arg12[%dma_wait3A_90, %dma_wait3A_91] : memref<10240x128xf32, #tpu.memory_space<vmem_shared>> -> memref<10240x128xf32, #tpu.memory_space<vmem_shared>>
        tpu.wait_indirect_dma semaphore(%run_scoped3A : memref<!tpu.dma_semaphore, #tpu.memory_space<semaphore_mem>>) src(%arg10 : memref<128x128xf32, #tpu.memory_space<vmem>>) dst(%dma_wait3A_92 : memref<10240x128xf32, #tpu.memory_space<vmem_shared>>)
        tpu.yield
      }) : () -> ()
      %add3A_62 = arith.constant 2 : i32
      %add3A_63 = arith.addi %mul3A_47, %add3A_62 : i32
      %min3A = arith.constant 38 : i32
      %min3A_64 = arith.minsi %add3A_63, %min3A : i32
      %dma_start3A_65 = arith.constant 0 : i32
      %dma_start3A_66 = tpu.memref_slice %arg8[%min3A_64, %dma_start3A_65] : memref<40x128xi32, #tpu.memory_space<vmem>> -> memref<1x128xi32, #tpu.memory_space<vmem>>
      %dma_start3A_67 = tpu.memref_squeeze %dma_start3A_66 : memref<1x128xi32, #tpu.memory_space<vmem>> -> memref<128xi32, #tpu.memory_space<vmem>>
      %dma_start3A_68 = arith.constant 0 : i32
      %dma_start3A_69 = arith.constant 0 : i32
      %dma_start3A_70 = tpu.memref_slice %arg2[%dma_start3A_68, %dma_start3A_69] : memref<10000x128xf32, #tpu.memory_space<hbm>> -> memref<10000x128xf32, #tpu.memory_space<hbm>>
      tpu.enqueue_indirect_dma source(%dma_start3A_70 : memref<10000x128xf32, #tpu.memory_space<hbm>>) target(%arg10 : memref<128x128xf32, #tpu.memory_space<vmem>>) offsets(%dma_start3A_67 : memref<128xi32, #tpu.memory_space<vmem>>) semaphore(%arg13 : memref<!tpu.dma_semaphore, #tpu.memory_space<semaphore_mem>>)
      %add3A_71 = arith.constant 1 : i32
      %add3A_72 = arith.addi %mul3A_47, %add3A_71 : i32
      %dma_wait3A_73 = arith.constant 0 : i32
      %dma_wait3A_74 = tpu.memref_slice %arg8[%add3A_72, %dma_wait3A_73] : memref<40x128xi32, #tpu.memory_space<vmem>> -> memref<1x128xi32, #tpu.memory_space<vmem>>
      %dma_wait3A_75 = tpu.memref_squeeze %dma_wait3A_74 : memref<1x128xi32, #tpu.memory_space<vmem>> -> memref<128xi32, #tpu.memory_space<vmem>>
      %dma_wait3A_76 = arith.constant 0 : i32
      %dma_wait3A_77 = arith.constant 0 : i32
      %dma_wait3A_78 = tpu.memref_slice %arg2[%dma_wait3A_76, %dma_wait3A_77] : memref<10000x128xf32, #tpu.memory_space<hbm>> -> memref<10000x128xf32, #tpu.memory_space<hbm>>
      tpu.wait_indirect_dma semaphore(%arg14 : memref<!tpu.dma_semaphore, #tpu.memory_space<semaphore_mem>>) src(%dma_wait3A_78 : memref<10000x128xf32, #tpu.memory_space<hbm>>) dst(%arg11 : memref<128x128xf32, #tpu.memory_space<vmem>>)
      %add3A_79 = arith.constant 1 : i32
      %add3A_80 = arith.addi %mul3A_47, %add3A_79 : i32
      "tpu.region"() ({
        %run_scoped3A = tpu.sem_alloc : memref<!tpu.dma_semaphore, #tpu.memory_space<semaphore_mem>>
        %dma_start3A_81 = arith.constant 0 : i32
        %dma_start3A_82 = tpu.memref_slice %arg9[%add3A_80, %dma_start3A_81] : memref<40x128xi32, #tpu.memory_space<vmem>> -> memref<1x128xi32, #tpu.memory_space<vmem>>
        %dma_start3A_83 = tpu.memref_squeeze %dma_start3A_82 : memref<1x128xi32, #tpu.memory_space<vmem>> -> memref<128xi32, #tpu.memory_space<vmem>>
        %dma_start3A_84 = arith.constant 0 : i32
        %dma_start3A_85 = arith.constant 0 : i32
        %dma_start3A_86 = tpu.memref_slice %arg12[%dma_start3A_84, %dma_start3A_85] : memref<10240x128xf32, #tpu.memory_space<vmem_shared>> -> memref<10240x128xf32, #tpu.memory_space<vmem_shared>>
        tpu.enqueue_indirect_dma source(%arg11 : memref<128x128xf32, #tpu.memory_space<vmem>>) target(%dma_start3A_86 : memref<10240x128xf32, #tpu.memory_space<vmem_shared>>) offsets(%dma_start3A_83 : memref<128xi32, #tpu.memory_space<vmem>>) semaphore(%run_scoped3A : memref<!tpu.dma_semaphore, #tpu.memory_space<semaphore_mem>>) {add = true}
        %dma_wait3A_87 = arith.constant 0 : i32
        %dma_wait3A_88 = tpu.memref_slice %arg9[%add3A_80, %dma_wait3A_87] : memref<40x128xi32, #tpu.memory_space<vmem>> -> memref<1x128xi32, #tpu.memory_space<vmem>>
        %dma_wait3A_89 = tpu.memref_squeeze %dma_wait3A_88 : memref<1x128xi32, #tpu.memory_space<vmem>> -> memref<128xi32, #tpu.memory_space<vmem>>
        %dma_wait3A_90 = arith.constant 0 : i32
        %dma_wait3A_91 = arith.constant 0 : i32
        %dma_wait3A_92 = tpu.memref_slice %arg12[%dma_wait3A_90, %dma_wait3A_91] : memref<10240x128xf32, #tpu.memory_space<vmem_shared>> -> memref<10240x128xf32, #tpu.memory_space<vmem_shared>>
        tpu.wait_indirect_dma semaphore(%run_scoped3A : memref<!tpu.dma_semaphore, #tpu.memory_space<semaphore_mem>>) src(%arg11 : memref<128x128xf32, #tpu.memory_space<vmem>>) dst(%dma_wait3A_92 : memref<10240x128xf32, #tpu.memory_space<vmem_shared>>)
        tpu.yield
      }) : () -> ()
    }
    %scan3A_32 = arith.constant 20 : i32
    %dma_wait3A_33 = arith.constant 0 : i32
    %dma_wait3A_34 = arith.constant 0 : i32
    %dma_wait3A_35 = tpu.memref_slice %arg8[%dma_wait3A_33, %dma_wait3A_34] : memref<40x128xi32, #tpu.memory_space<vmem>> -> memref<1x128xi32, #tpu.memory_space<vmem>>
    %dma_wait3A_36 = tpu.memref_squeeze %dma_wait3A_35 : memref<1x128xi32, #tpu.memory_space<vmem>> -> memref<128xi32, #tpu.memory_space<vmem>>
    %dma_wait3A_37 = arith.constant 0 : i32
    %dma_wait3A_38 = arith.constant 0 : i32
    %dma_wait3A_39 = tpu.memref_slice %arg2[%dma_wait3A_37, %dma_wait3A_38] : memref<10000x128xf32, #tpu.memory_space<hbm>> -> memref<10000x128xf32, #tpu.memory_space<hbm>>
    tpu.wait_indirect_dma semaphore(%arg13 : memref<!tpu.dma_semaphore, #tpu.memory_space<semaphore_mem>>) src(%dma_wait3A_39 : memref<10000x128xf32, #tpu.memory_space<hbm>>) dst(%arg10 : memref<128x128xf32, #tpu.memory_space<vmem>>)
    %barrier3A_40 = arith.constant 0 : index
    tpu.barrier barrier_id(%barrier3A_40)
    %mul3A_41 = arith.constant 640 : i32
    %mul3A_42 = arith.muli %arg1, %mul3A_41 : i32
    %mul3A_43 = arith.constant 640 : i32
    %mul3A_44 = arith.muli %arg1, %mul3A_43 : i32
    "tpu.region"() ({
      %run_scoped3A = tpu.sem_alloc : memref<!tpu.dma_semaphore, #tpu.memory_space<semaphore_mem>>
      %dma_start3A_45 = arith.constant 0 : i32
      %dma_start3A_46 = tpu.memref_slice %arg7[%arg0, %mul3A_44, %dma_start3A_45] : memref<2x10240x128xf32, #tpu.memory_space<hbm>> -> memref<1x640x128xf32, #tpu.memory_space<hbm>>
      %dma_start3A_47 = tpu.memref_squeeze %dma_start3A_46 : memref<1x640x128xf32, #tpu.memory_space<hbm>> -> memref<640x128xf32, #tpu.memory_space<hbm>>
      %dma_start3A_48 = arith.constant 0 : i32
      %dma_start3A_49 = tpu.memref_slice %arg12[%mul3A_42, %dma_start3A_48] : memref<10240x128xf32, #tpu.memory_space<vmem_shared>> -> memref<640x128xf32, #tpu.memory_space<vmem_shared>>
      tpu.enqueue_dma source(%dma_start3A_49 : memref<640x128xf32, #tpu.memory_space<vmem_shared>>) target(%dma_start3A_47 : memref<640x128xf32, #tpu.memory_space<hbm>>) target_semaphore(%run_scoped3A : memref<!tpu.dma_semaphore, #tpu.memory_space<semaphore_mem>>)
      %dma_wait3A_50 = arith.constant 0 : i32
      %dma_wait3A_51 = tpu.memref_slice %arg7[%arg0, %mul3A_44, %dma_wait3A_50] : memref<2x10240x128xf32, #tpu.memory_space<hbm>> -> memref<1x640x128xf32, #tpu.memory_space<hbm>>
      %dma_wait3A_52 = tpu.memref_squeeze %dma_wait3A_51 : memref<1x640x128xf32, #tpu.memory_space<hbm>> -> memref<640x128xf32, #tpu.memory_space<hbm>>
      %dma_wait3A_53 = arith.constant 0 : i32
      %dma_wait3A_54 = tpu.memref_slice %arg12[%mul3A_42, %dma_wait3A_53] : memref<10240x128xf32, #tpu.memory_space<vmem_shared>> -> memref<640x128xf32, #tpu.memory_space<vmem_shared>>
      tpu.wait_dma2 semaphore(%run_scoped3A : memref<!tpu.dma_semaphore, #tpu.memory_space<semaphore_mem>>) src(%dma_wait3A_54 : memref<640x128xf32, #tpu.memory_space<vmem_shared>>) dst(%dma_wait3A_52 : memref<640x128xf32, #tpu.memory_space<hbm>>)
      tpu.yield
    }) : () -> ()
    return
  }
}

module attributes {stable_mosaic.version = 14 : i64} {
  func.func @_tc1_body(%arg0: i32, %arg1: memref<1000x128xf32, #tpu.memory_space<vmem>>, %arg2: memref<1x1000x128xf32, #tpu.memory_space<vmem>>, %arg3: memref<1x1000x128xf32, #tpu.memory_space<vmem>>, %arg4: memref<1000x1xf32, #tpu.memory_space<vmem>>, %arg5: memref<1000x1xf32, #tpu.memory_space<vmem>>, %arg6: memref<128x128xf32, #tpu.memory_space<vmem>>, %arg7: memref<1x128xf32, #tpu.memory_space<vmem>>, %arg8: memref<128x128xf32, #tpu.memory_space<vmem>>, %arg9: memref<128x128xf32, #tpu.memory_space<vmem>>, %arg10: memref<1x128xf32, #tpu.memory_space<vmem>>, %arg11: memref<1000x128xf32, #tpu.memory_space<vmem>>) attributes {dimension_semantics = [#tpu.dimension_semantics<arbitrary>], iteration_bounds = array<i64: 10>, scalar_prefetch = 0 : i64, scratch_operands = 0 : i64, tpu.core_type = #tpu.core_type<tc>, window_params = [{transform_indices = @transform_0, window_bounds = array<i64: 1000, 128>}, {transform_indices = @transform_1, window_bounds = array<i64: 1, 1000, 128>}, {transform_indices = @transform_2, window_bounds = array<i64: 1, 1000, 128>}, {transform_indices = @transform_3, window_bounds = array<i64: 1000, 1>}, {transform_indices = @transform_4, window_bounds = array<i64: 1000, 1>}, {pipeline_mode = #tpu.pipeline_mode<synchronous>, transform_indices = @transform_5, window_bounds = array<i64: 128, 128>}, {pipeline_mode = #tpu.pipeline_mode<synchronous>, transform_indices = @transform_6, window_bounds = array<i64: 1, 128>}, {pipeline_mode = #tpu.pipeline_mode<synchronous>, transform_indices = @transform_7, window_bounds = array<i64: 128, 128>}, {pipeline_mode = #tpu.pipeline_mode<synchronous>, transform_indices = @transform_8, window_bounds = array<i64: 128, 128>}, {pipeline_mode = #tpu.pipeline_mode<synchronous>, transform_indices = @transform_9, window_bounds = array<i64: 1, 128>}, {transform_indices = @transform_10, window_bounds = array<i64: 1000, 128>}]} {
    %get3A = arith.constant 0 : index
    %get3A_0 = arith.constant 0 : index
    %get3A_1 = vector.load %arg4[%get3A, %get3A_0] : memref<1000x1xf32, #tpu.memory_space<vmem>>, vector<1000x1xf32>
    %get3A_2 = arith.constant 0 : index
    %get3A_3 = arith.constant 0 : index
    %get3A_4 = vector.load %arg5[%get3A_2, %get3A_3] : memref<1000x1xf32, #tpu.memory_space<vmem>>, vector<1000x1xf32>
    %add3A = arith.addf %get3A_1, %get3A_4 : vector<1000x1xf32>
    %max3A = arith.constant 1.000000e+00 : f32
    %max3A_5 = vector.broadcast %max3A : f32 to vector<1000x1xf32>
    %max3A_6 = arith.maximumf %add3A, %max3A_5 : vector<1000x1xf32>
    %get3A_7 = arith.constant 0 : index
    %get3A_8 = arith.constant 0 : index
    %get3A_9 = arith.constant 0 : index
    %get3A_10 = vector.load %arg2[%get3A_7, %get3A_8, %get3A_9] : memref<1x1000x128xf32, #tpu.memory_space<vmem>>, vector<1x1000x128xf32>
    %get3A_11 = vector.shape_cast %get3A_10 : vector<1x1000x128xf32> to vector<1000x128xf32>
    %get3A_12 = arith.constant 0 : index
    %get3A_13 = arith.constant 0 : index
    %get3A_14 = arith.constant 0 : index
    %get3A_15 = vector.load %arg3[%get3A_12, %get3A_13, %get3A_14] : memref<1x1000x128xf32, #tpu.memory_space<vmem>>, vector<1x1000x128xf32>
    %get3A_16 = vector.shape_cast %get3A_15 : vector<1x1000x128xf32> to vector<1000x128xf32>
    %add3A_17 = arith.addf %get3A_11, %get3A_16 : vector<1000x128xf32>
    %div3A = vector.broadcast %max3A_6 : vector<1000x1xf32> to vector<1000x128xf32>
    %div3A_18 = arith.divf %add3A_17, %div3A : vector<1000x128xf32>
    %get3A_19 = arith.constant 0 : index
    %get3A_20 = arith.constant 0 : index
    %get3A_21 = vector.load %arg6[%get3A_19, %get3A_20] : memref<128x128xf32, #tpu.memory_space<vmem>>, vector<128x128xf32>
    %dot_general3A = arith.constant dense<0.000000e+00> : vector<1000x128xf32>
    %dot_general3A_22 = tpu.matmul %div3A_18, %get3A_21, %dot_general3A {dimension_numbers = #tpu.dot_dimension_numbers<[1], [0], [0], [1], [0, 0, 1, 1], [], []>, transpose_lhs_hint = false} : vector<1000x128xf32>, vector<128x128xf32>, vector<1000x128xf32> -> vector<1000x128xf32>
    %get3A_23 = arith.constant 0 : index
    %get3A_24 = arith.constant 0 : index
    %get3A_25 = vector.load %arg7[%get3A_23, %get3A_24] : memref<1x128xf32, #tpu.memory_space<vmem>>, vector<1x128xf32>
    %add3A_26 = vector.broadcast %get3A_25 : vector<1x128xf32> to vector<1000x128xf32>
    %add3A_27 = arith.addf %dot_general3A_22, %add3A_26 : vector<1000x128xf32>
    %get3A_28 = arith.constant 0 : index
    %get3A_29 = arith.constant 0 : index
    %get3A_30 = vector.load %arg1[%get3A_28, %get3A_29] : memref<1000x128xf32, #tpu.memory_space<vmem>>, vector<1000x128xf32>
    %get3A_31 = arith.constant 0 : index
    %get3A_32 = arith.constant 0 : index
    %get3A_33 = vector.load %arg8[%get3A_31, %get3A_32] : memref<128x128xf32, #tpu.memory_space<vmem>>, vector<128x128xf32>
    %dot_general3A_34 = arith.constant dense<0.000000e+00> : vector<1000x128xf32>
    %dot_general3A_35 = tpu.matmul %get3A_30, %get3A_33, %dot_general3A_34 {dimension_numbers = #tpu.dot_dimension_numbers<[1], [0], [0], [1], [0, 0, 1, 1], [], []>, transpose_lhs_hint = false} : vector<1000x128xf32>, vector<128x128xf32>, vector<1000x128xf32> -> vector<1000x128xf32>
    %add3A_36 = arith.addf %add3A_27, %dot_general3A_35 : vector<1000x128xf32>
    %mul3A = arith.mulf %add3A_36, %add3A_36 : vector<1000x128xf32>
    %reduce_sum3A = arith.constant dense<0.000000e+00> : vector<1000xf32>
    %reduce_sum3A_37 = vector.multi_reduction <add>, %mul3A, %reduce_sum3A [1] : vector<1000x128xf32> to vector<1000xf32>
    %broadcast_in_dim3A = vector.shape_cast %reduce_sum3A_37 : vector<1000xf32> to vector<1000x1xf32>
    %sqrt3A = math.sqrt %broadcast_in_dim3A : vector<1000x1xf32>
    %max3A_38 = arith.constant 9.99999996E-13 : f32
    %max3A_39 = vector.broadcast %max3A_38 : f32 to vector<1000x1xf32>
    %max3A_40 = arith.maximumf %sqrt3A, %max3A_39 : vector<1000x1xf32>
    %div3A_41 = vector.broadcast %max3A_40 : vector<1000x1xf32> to vector<1000x128xf32>
    %div3A_42 = arith.divf %add3A_36, %div3A_41 : vector<1000x128xf32>
    %get3A_43 = arith.constant 0 : index
    %get3A_44 = arith.constant 0 : index
    %get3A_45 = vector.load %arg9[%get3A_43, %get3A_44] : memref<128x128xf32, #tpu.memory_space<vmem>>, vector<128x128xf32>
    %dot_general3A_46 = arith.constant dense<0.000000e+00> : vector<1000x128xf32>
    %dot_general3A_47 = tpu.matmul %div3A_42, %get3A_45, %dot_general3A_46 {dimension_numbers = #tpu.dot_dimension_numbers<[1], [0], [0], [1], [0, 0, 1, 1], [], []>, transpose_lhs_hint = false} : vector<1000x128xf32>, vector<128x128xf32>, vector<1000x128xf32> -> vector<1000x128xf32>
    %get3A_48 = arith.constant 0 : index
    %get3A_49 = arith.constant 0 : index
    %get3A_50 = vector.load %arg10[%get3A_48, %get3A_49] : memref<1x128xf32, #tpu.memory_space<vmem>>, vector<1x128xf32>
    %add3A_51 = vector.broadcast %get3A_50 : vector<1x128xf32> to vector<1000x128xf32>
    %add3A_52 = arith.addf %dot_general3A_47, %add3A_51 : vector<1000x128xf32>
    %max3A_53 = arith.constant 0.000000e+00 : f32
    %max3A_54 = vector.broadcast %max3A_53 : f32 to vector<1000x128xf32>
    %max3A_55 = arith.maximumf %add3A_52, %max3A_54 : vector<1000x128xf32>
    %swap3A = arith.constant 0 : index
    %swap3A_56 = arith.constant 0 : index
    %swap3A_57 = vector.load %arg11[%swap3A, %swap3A_56] : memref<1000x128xf32, #tpu.memory_space<vmem>>, vector<1000x128xf32>
    tpu.vector_store %arg11[%swap3A, %swap3A_56], %max3A_55 {strides = array<i32>} : memref<1000x128xf32, #tpu.memory_space<vmem>>, vector<1000x128xf32>,
    return
  }
  func.func @transform_0(%arg0: i32) -> (i32, i32) {
    %c0_i32 = arith.constant 0 : i32
    %c0_i32_0 = arith.constant 0 : i32
    return %arg0, %c0_i32 : i32, i32
  }
  func.func @transform_1(%arg0: i32) -> (i32, i32, i32) {
    %c0_i32 = arith.constant 0 : i32
    %c0_i32_0 = arith.constant 0 : i32
    %c0_i32_1 = arith.constant 0 : i32
    return %c0_i32, %arg0, %c0_i32_0 : i32, i32, i32
  }
  func.func @transform_2(%arg0: i32) -> (i32, i32, i32) {
    %c1_i32 = arith.constant 1 : i32
    %c0_i32 = arith.constant 0 : i32
    %c0_i32_0 = arith.constant 0 : i32
    return %c1_i32, %arg0, %c0_i32 : i32, i32, i32
  }
  func.func @transform_3(%arg0: i32) -> (i32, i32) {
    %c0_i32 = arith.constant 0 : i32
    %c0_i32_0 = arith.constant 0 : i32
    return %arg0, %c0_i32 : i32, i32
  }
  func.func @transform_4(%arg0: i32) -> (i32, i32) {
    %c0_i32 = arith.constant 0 : i32
    %c0_i32_0 = arith.constant 0 : i32
    return %arg0, %c0_i32 : i32, i32
  }
  func.func @transform_5(%arg0: i32) -> (i32, i32) {
    %c0_i32 = arith.constant 0 : i32
    %c0_i32_0 = arith.constant 0 : i32
    %c0_i32_1 = arith.constant 0 : i32
    return %c0_i32, %c0_i32_0 : i32, i32
  }
  func.func @transform_6(%arg0: i32) -> (i32, i32) {
    %c0_i32 = arith.constant 0 : i32
    %c0_i32_0 = arith.constant 0 : i32
    %c0_i32_1 = arith.constant 0 : i32
    return %c0_i32, %c0_i32_0 : i32, i32
  }
  func.func @transform_7(%arg0: i32) -> (i32, i32) {
    %c0_i32 = arith.constant 0 : i32
    %c0_i32_0 = arith.constant 0 : i32
    %c0_i32_1 = arith.constant 0 : i32
    return %c0_i32, %c0_i32_0 : i32, i32
  }
  func.func @transform_8(%arg0: i32) -> (i32, i32) {
    %c0_i32 = arith.constant 0 : i32
    %c0_i32_0 = arith.constant 0 : i32
    %c0_i32_1 = arith.constant 0 : i32
    return %c0_i32, %c0_i32_0 : i32, i32
  }
  func.func @transform_9(%arg0: i32) -> (i32, i32) {
    %c0_i32 = arith.constant 0 : i32
    %c0_i32_0 = arith.constant 0 : i32
    %c0_i32_1 = arith.constant 0 : i32
    return %c0_i32, %c0_i32_0 : i32, i32
  }
  func.func @transform_10(%arg0: i32) -> (i32, i32) {
    %c0_i32 = arith.constant 0 : i32
    %c0_i32_0 = arith.constant 0 : i32
    return %arg0, %c0_i32 : i32, i32
  }
}

module attributes {stable_mosaic.version = 14 : i64} {
  func.func @_tc2_body(%arg0: i32, %arg1: memref<1000x128xf32, #tpu.memory_space<vmem>>, %arg2: memref<1x1000x128xf32, #tpu.memory_space<vmem>>, %arg3: memref<1x1000x128xf32, #tpu.memory_space<vmem>>, %arg4: memref<1000x1xf32, #tpu.memory_space<vmem>>, %arg5: memref<1000x1xf32, #tpu.memory_space<vmem>>, %arg6: memref<128x128xf32, #tpu.memory_space<vmem>>, %arg7: memref<1x128xf32, #tpu.memory_space<vmem>>, %arg8: memref<128x128xf32, #tpu.memory_space<vmem>>, %arg9: memref<128x128xf32, #tpu.memory_space<vmem>>, %arg10: memref<1x128xf32, #tpu.memory_space<vmem>>, %arg11: memref<1000x128xf32, #tpu.memory_space<vmem>>, %arg12: memref<1000x2xf32, #tpu.memory_space<vmem>>) attributes {dimension_semantics = [#tpu.dimension_semantics<arbitrary>], iteration_bounds = array<i64: 10>, scalar_prefetch = 0 : i64, scratch_operands = 0 : i64, tpu.core_type = #tpu.core_type<tc>, window_params = [{transform_indices = @transform_0, window_bounds = array<i64: 1000, 128>}, {transform_indices = @transform_1, window_bounds = array<i64: 1, 1000, 128>}, {transform_indices = @transform_2, window_bounds = array<i64: 1, 1000, 128>}, {transform_indices = @transform_3, window_bounds = array<i64: 1000, 1>}, {transform_indices = @transform_4, window_bounds = array<i64: 1000, 1>}, {pipeline_mode = #tpu.pipeline_mode<synchronous>, transform_indices = @transform_5, window_bounds = array<i64: 128, 128>}, {pipeline_mode = #tpu.pipeline_mode<synchronous>, transform_indices = @transform_6, window_bounds = array<i64: 1, 128>}, {pipeline_mode = #tpu.pipeline_mode<synchronous>, transform_indices = @transform_7, window_bounds = array<i64: 128, 128>}, {pipeline_mode = #tpu.pipeline_mode<synchronous>, transform_indices = @transform_8, window_bounds = array<i64: 128, 128>}, {pipeline_mode = #tpu.pipeline_mode<synchronous>, transform_indices = @transform_9, window_bounds = array<i64: 1, 128>}, {transform_indices = @transform_10, window_bounds = array<i64: 1000, 128>}, {transform_indices = @transform_11, window_bounds = array<i64: 1000, 2>}]} {
    %get3A = arith.constant 0 : index
    %get3A_0 = arith.constant 0 : index
    %get3A_1 = vector.load %arg4[%get3A, %get3A_0] : memref<1000x1xf32, #tpu.memory_space<vmem>>, vector<1000x1xf32>
    %get3A_2 = arith.constant 0 : index
    %get3A_3 = arith.constant 0 : index
    %get3A_4 = vector.load %arg5[%get3A_2, %get3A_3] : memref<1000x1xf32, #tpu.memory_space<vmem>>, vector<1000x1xf32>
    %add3A = arith.addf %get3A_1, %get3A_4 : vector<1000x1xf32>
    %max3A = arith.constant 1.000000e+00 : f32
    %max3A_5 = vector.broadcast %max3A : f32 to vector<1000x1xf32>
    %max3A_6 = arith.maximumf %add3A, %max3A_5 : vector<1000x1xf32>
    %get3A_7 = arith.constant 0 : index
    %get3A_8 = arith.constant 0 : index
    %get3A_9 = arith.constant 0 : index
    %get3A_10 = vector.load %arg2[%get3A_7, %get3A_8, %get3A_9] : memref<1x1000x128xf32, #tpu.memory_space<vmem>>, vector<1x1000x128xf32>
    %get3A_11 = vector.shape_cast %get3A_10 : vector<1x1000x128xf32> to vector<1000x128xf32>
    %get3A_12 = arith.constant 0 : index
    %get3A_13 = arith.constant 0 : index
    %get3A_14 = arith.constant 0 : index
    %get3A_15 = vector.load %arg3[%get3A_12, %get3A_13, %get3A_14] : memref<1x1000x128xf32, #tpu.memory_space<vmem>>, vector<1x1000x128xf32>
    %get3A_16 = vector.shape_cast %get3A_15 : vector<1x1000x128xf32> to vector<1000x128xf32>
    %add3A_17 = arith.addf %get3A_11, %get3A_16 : vector<1000x128xf32>
    %div3A = vector.broadcast %max3A_6 : vector<1000x1xf32> to vector<1000x128xf32>
    %div3A_18 = arith.divf %add3A_17, %div3A : vector<1000x128xf32>
    %get3A_19 = arith.constant 0 : index
    %get3A_20 = arith.constant 0 : index
    %get3A_21 = vector.load %arg6[%get3A_19, %get3A_20] : memref<128x128xf32, #tpu.memory_space<vmem>>, vector<128x128xf32>
    %dot_general3A = arith.constant dense<0.000000e+00> : vector<1000x128xf32>
    %dot_general3A_22 = tpu.matmul %div3A_18, %get3A_21, %dot_general3A {dimension_numbers = #tpu.dot_dimension_numbers<[1], [0], [0], [1], [0, 0, 1, 1], [], []>, transpose_lhs_hint = false} : vector<1000x128xf32>, vector<128x128xf32>, vector<1000x128xf32> -> vector<1000x128xf32>
    %get3A_23 = arith.constant 0 : index
    %get3A_24 = arith.constant 0 : index
    %get3A_25 = vector.load %arg7[%get3A_23, %get3A_24] : memref<1x128xf32, #tpu.memory_space<vmem>>, vector<1x128xf32>
    %add3A_26 = vector.broadcast %get3A_25 : vector<1x128xf32> to vector<1000x128xf32>
    %add3A_27 = arith.addf %dot_general3A_22, %add3A_26 : vector<1000x128xf32>
    %get3A_28 = arith.constant 0 : index
    %get3A_29 = arith.constant 0 : index
    %get3A_30 = vector.load %arg1[%get3A_28, %get3A_29] : memref<1000x128xf32, #tpu.memory_space<vmem>>, vector<1000x128xf32>
    %get3A_31 = arith.constant 0 : index
    %get3A_32 = arith.constant 0 : index
    %get3A_33 = vector.load %arg8[%get3A_31, %get3A_32] : memref<128x128xf32, #tpu.memory_space<vmem>>, vector<128x128xf32>
    %dot_general3A_34 = arith.constant dense<0.000000e+00> : vector<1000x128xf32>
    %dot_general3A_35 = tpu.matmul %get3A_30, %get3A_33, %dot_general3A_34 {dimension_numbers = #tpu.dot_dimension_numbers<[1], [0], [0], [1], [0, 0, 1, 1], [], []>, transpose_lhs_hint = false} : vector<1000x128xf32>, vector<128x128xf32>, vector<1000x128xf32> -> vector<1000x128xf32>
    %add3A_36 = arith.addf %add3A_27, %dot_general3A_35 : vector<1000x128xf32>
    %mul3A = arith.mulf %add3A_36, %add3A_36 : vector<1000x128xf32>
    %reduce_sum3A = arith.constant dense<0.000000e+00> : vector<1000xf32>
    %reduce_sum3A_37 = vector.multi_reduction <add>, %mul3A, %reduce_sum3A [1] : vector<1000x128xf32> to vector<1000xf32>
    %broadcast_in_dim3A = vector.shape_cast %reduce_sum3A_37 : vector<1000xf32> to vector<1000x1xf32>
    %sqrt3A = math.sqrt %broadcast_in_dim3A : vector<1000x1xf32>
    %max3A_38 = arith.constant 9.99999996E-13 : f32
    %max3A_39 = vector.broadcast %max3A_38 : f32 to vector<1000x1xf32>
    %max3A_40 = arith.maximumf %sqrt3A, %max3A_39 : vector<1000x1xf32>
    %div3A_41 = vector.broadcast %max3A_40 : vector<1000x1xf32> to vector<1000x128xf32>
    %div3A_42 = arith.divf %add3A_36, %div3A_41 : vector<1000x128xf32>
    %swap3A = arith.constant 0 : index
    %swap3A_43 = arith.constant 0 : index
    %swap3A_44 = vector.load %arg11[%swap3A, %swap3A_43] : memref<1000x128xf32, #tpu.memory_space<vmem>>, vector<1000x128xf32>
    tpu.vector_store %arg11[%swap3A, %swap3A_43], %div3A_42 {strides = array<i32>} : memref<1000x128xf32, #tpu.memory_space<vmem>>, vector<1000x128xf32>,
    %get3A_45 = arith.constant 0 : index
    %get3A_46 = arith.constant 0 : index
    %get3A_47 = vector.load %arg9[%get3A_45, %get3A_46] : memref<128x128xf32, #tpu.memory_space<vmem>>, vector<128x128xf32>
    %dot_general3A_48 = arith.constant dense<0.000000e+00> : vector<1000x128xf32>
    %dot_general3A_49 = tpu.matmul %div3A_42, %get3A_47, %dot_general3A_48 {dimension_numbers = #tpu.dot_dimension_numbers<[1], [0], [0], [1], [0, 0, 1, 1], [], []>, transpose_lhs_hint = false} : vector<1000x128xf32>, vector<128x128xf32>, vector<1000x128xf32> -> vector<1000x128xf32>
    %get3A_50 = arith.constant 0 : index
    %get3A_51 = arith.constant 0 : index
    %get3A_52 = vector.load %arg10[%get3A_50, %get3A_51] : memref<1x128xf32, #tpu.memory_space<vmem>>, vector<1x128xf32>
    %add3A_53 = vector.broadcast %get3A_52 : vector<1x128xf32> to vector<1000x128xf32>
    %add3A_54 = arith.addf %dot_general3A_49, %add3A_53 : vector<1000x128xf32>
    %reduce_max3A = arith.constant dense<0xFF800000> : vector<1000xf32>
    %reduce_max3A_55 = vector.multi_reduction <maximumf>, %add3A_54, %reduce_max3A [1] : vector<1000x128xf32> to vector<1000xf32>
    %broadcast_in_dim3A_56 = vector.shape_cast %reduce_max3A_55 : vector<1000xf32> to vector<1000x1xf32>
    %sub3A = vector.broadcast %broadcast_in_dim3A_56 : vector<1000x1xf32> to vector<1000x128xf32>
    %sub3A_57 = arith.subf %add3A_54, %sub3A : vector<1000x128xf32>
    %exp3A = math.exp %sub3A_57 : vector<1000x128xf32>
    %reduce_sum3A_58 = arith.constant dense<0.000000e+00> : vector<1000xf32>
    %reduce_sum3A_59 = vector.multi_reduction <add>, %exp3A, %reduce_sum3A_58 [1] : vector<1000x128xf32> to vector<1000xf32>
    %broadcast_in_dim3A_60 = vector.shape_cast %reduce_sum3A_59 : vector<1000xf32> to vector<1000x1xf32>
    %div3A_61 = vector.broadcast %broadcast_in_dim3A_60 : vector<1000x1xf32> to vector<1000x128xf32>
    %div3A_62 = arith.divf %exp3A, %div3A_61 : vector<1000x128xf32>
    %slice3A = vector.extract_strided_slice %div3A_62 {offsets = [0, 0], sizes = [1000, 2], strides = [1, 1]} : vector<1000x128xf32> to vector<1000x2xf32>
    %swap3A_63 = arith.constant 0 : index
    %swap3A_64 = arith.constant 0 : index
    %swap3A_65 = vector.load %arg12[%swap3A_63, %swap3A_64] : memref<1000x2xf32, #tpu.memory_space<vmem>>, vector<1000x2xf32>
    tpu.vector_store %arg12[%swap3A_63, %swap3A_64], %slice3A {strides = array<i32>} : memref<1000x2xf32, #tpu.memory_space<vmem>>, vector<1000x2xf32>,
    return
  }
  func.func @transform_0(%arg0: i32) -> (i32, i32) {
    %c0_i32 = arith.constant 0 : i32
    %c0_i32_0 = arith.constant 0 : i32
    return %arg0, %c0_i32 : i32, i32
  }
  func.func @transform_1(%arg0: i32) -> (i32, i32, i32) {
    %c0_i32 = arith.constant 0 : i32
    %c0_i32_0 = arith.constant 0 : i32
    %c0_i32_1 = arith.constant 0 : i32
    return %c0_i32, %arg0, %c0_i32_0 : i32, i32, i32
  }
  func.func @transform_2(%arg0: i32) -> (i32, i32, i32) {
    %c1_i32 = arith.constant 1 : i32
    %c0_i32 = arith.constant 0 : i32
    %c0_i32_0 = arith.constant 0 : i32
    return %c1_i32, %arg0, %c0_i32 : i32, i32, i32
  }
  func.func @transform_3(%arg0: i32) -> (i32, i32) {
    %c0_i32 = arith.constant 0 : i32
    %c0_i32_0 = arith.constant 0 : i32
    return %arg0, %c0_i32 : i32, i32
  }
  func.func @transform_4(%arg0: i32) -> (i32, i32) {
    %c0_i32 = arith.constant 0 : i32
    %c0_i32_0 = arith.constant 0 : i32
    return %arg0, %c0_i32 : i32, i32
  }
  func.func @transform_5(%arg0: i32) -> (i32, i32) {
    %c0_i32 = arith.constant 0 : i32
    %c0_i32_0 = arith.constant 0 : i32
    %c0_i32_1 = arith.constant 0 : i32
    return %c0_i32, %c0_i32_0 : i32, i32
  }
  func.func @transform_6(%arg0: i32) -> (i32, i32) {
    %c0_i32 = arith.constant 0 : i32
    %c0_i32_0 = arith.constant 0 : i32
    %c0_i32_1 = arith.constant 0 : i32
    return %c0_i32, %c0_i32_0 : i32, i32
  }
  func.func @transform_7(%arg0: i32) -> (i32, i32) {
    %c0_i32 = arith.constant 0 : i32
    %c0_i32_0 = arith.constant 0 : i32
    %c0_i32_1 = arith.constant 0 : i32
    return %c0_i32, %c0_i32_0 : i32, i32
  }
  func.func @transform_8(%arg0: i32) -> (i32, i32) {
    %c0_i32 = arith.constant 0 : i32
    %c0_i32_0 = arith.constant 0 : i32
    %c0_i32_1 = arith.constant 0 : i32
    return %c0_i32, %c0_i32_0 : i32, i32
  }
  func.func @transform_9(%arg0: i32) -> (i32, i32) {
    %c0_i32 = arith.constant 0 : i32
    %c0_i32_0 = arith.constant 0 : i32
    %c0_i32_1 = arith.constant 0 : i32
    return %c0_i32, %c0_i32_0 : i32, i32
  }
  func.func @transform_10(%arg0: i32) -> (i32, i32) {
    %c0_i32 = arith.constant 0 : i32
    %c0_i32_0 = arith.constant 0 : i32
    return %arg0, %c0_i32 : i32, i32
  }
  func.func @transform_11(%arg0: i32) -> (i32, i32) {
    %c0_i32 = arith.constant 0 : i32
    %c0_i32_0 = arith.constant 0 : i32
    return %arg0, %c0_i32 : i32, i32
  }
}

</mosaic_0001>

<sc_bundles>
// kernel: kernel.6.cloned.1.call-start
scs
__scs_entry_jumppad:
0x0: {  	(pc) =	sbr.rel $0x88, $3  }
0x1: {  	(tag) =	ssettag $0x0;
	lr =	simm.s32 $0x1  }
0x2: {  	[smem:$0x3F95] =	sst lr;
	_ =	strace $0xD0000000  }
0x3: {  	_ = 	snop  }
0x4: {  	_ = 	snop  }
0x5: {  	_ = 	snop  }
0x6: {  	_ = 	snop  }
0x7: {  	_ = 	snop  }
__scs_overlays_trampoline_lowered:
0x8: {  	[smem:$0x3FA4] =	sst s0  }
0x9: {  	[smem:$0x3FA5] =	sst s1  }
0xa: {  	[smem:$0x3FA6] =	sst s2  }
0xb: {  	[smem:$0x3FA7] =	sst s3  }
0xc: {  	[smem:$0x3FA8] =	sst s4  }
0xd: {  	[smem:$0x3FA9] =	sst s5  }
0xe: {  	[smem:$0x3FAA] =	sst s6  }
0xf: {  	[smem:$0x3FAB] =	sst s7  }
0x10: {  	[smem:$0x3FAC] =	sst s8  }
0x11: {  	[smem:$0x3FAD] =	sst s9;
	s0 =	simm.s32 @!p0 $0x0  }
0x12: {  	s1 =	sld [smem:$0x3F93];
	s0 =	simm.s32 @p0 $0x1  }
0x13: {  	[smem:$0x3FAE] =	sst s0;
	s0 =	simm.s32 @!p1 $0x0  }
0x14: {  	s2 =	sld [smem:$0x3F92];
	s0 =	simm.s32 @p1 $0x1  }
0x15: {  	[smem:$0x3FAF] =	sst s0;
	s0 =	simm.s32 @!p2 $0x0  }
0x16: {  	s3 =	sld [smem:$0x3FDB];
	s0 =	simm.s32 @p2 $0x1  }
0x17: {  	s4 =	simm.s32 $0x1BF5;
	[smem:$0x3FB1] =	sst s0  }
0x18: {  	s0 =	sld [smem:$0x3F94];
	_ =	swait.ge [sflag:s4], $0x0  }
0x19: {  	s7 =	sld [smem:$0x3F95]  }
0x1a: {  	s8 =	sadd.s32 $0xFFFFE003, lr  }
0x1b: {  	s9 =	sadd.s32 $0xFFFFFEF7, lr;
	s5 =	simm.s32 $0xFFFFFFFF;
	p2 =	slt.u32 s8, $0xFFFFF086  }
0x1c: {  	p1 =	slt.u32 s9, $0xF7A;
	s5 =	simm.s32 @!p2 $0x0  }
0x1d: {  	s5 =	simm.s32 @p1 $0x1;
	p0 =	seq.s32 s7, s2  }
0x1e: {  	s7 =	smul.u32 @!p0 $0xF7A, s2;
	p2 =	seq.s32 @!p0 s5, $0x0  }
0x1f: {  	s9 =	smul.u32 $0xF7A, s1;
	s8 =	simm.s32 @!p0 $0x1BF5;
	p2 =	por !p2, p0  }
0x20: {  	[sflag:s8] =	ssyncset.s32 @!p0 $0xFFFFF086;
	s6 =	sadd.s32 @!p0 s3, s7;
	s7 =	simm.s32 @!p0 $0x108  }
0x21: {  	s3 =	sadd.s32 s3, s9;
	s6 =	sadd.s32 @!p0 $0x88, s6;
	s7 =	simm.s32 @p2 $0x1082  }
0x22: {  	[simem:s7], [sflag:s8] =	dma.local @!p0 [hbm:s6], $0xF7A  }
0x23: {  	s9 =	sor.u32 $0xD0000000, s2;
	s6 =	simm.s32 $0x108;
	_ =	swait.ge @!p0 [sflag:s8], $0x0  }
0x24: {  	s3 =	sadd.s32 $0x88, s3;
	s6 =	simm.s32 @!p1 $0x1082;
	[sflag:s4] =	ssyncset.s32 $0xFFFFF086  }
0x25: {  	[simem:s6], [sflag:s4] =	dma.local [hbm:s3], $0xF7A  }
0x26: {  	[smem:$0x3F95] =	sst s1;
	(tag) =	ssettag s2;
	_ =	strace s9  }
0x27: {  	s1 =	sld [smem:$0x3FA5]  }
0x28: {  	s2 =	sld [smem:$0x3FA6]  }
0x29: {  	s4 =	sld [smem:$0x3FA8]  }
0x2a: {  	p0 =	seq.s32 s5, $0x0;
	s5 =	sld [smem:$0x3FA9]  }
0x2b: {  	s6 =	sld [smem:$0x3FAA]  }
0x2c: {  	s7 =	sld [smem:$0x3FAB]  }
0x2d: {  	s3 =	simm.s32 $0x108;
	s8 =	sld [smem:$0x3FAC]  }
0x2e: {  	s3 =	simm.s32 @!p0 $0x1082;
	s9 =	sld [smem:$0x3FAD]  }
0x2f: {  	lr =	sadd.s32 s0, s3;
	s0 =	sld [smem:$0x3FA4]  }
0x30: {  	s3 =	sld [smem:$0x3FA7]  }
0x31: {  	[smem:$0x3FB0] =	sst s10  }
0x32: {  	s10 =	sld [smem:$0x3FAE];
	_ =	sdelay $0x3  }
0x33: {  	p0 =	seq.s32 s10, $0x1;
	s10 =	sld [smem:$0x3FB0];
	_ =	sdelay $0x3  }
0x34: {  	[smem:$0x3FB0] =	sst s10  }
0x35: {  	s10 =	sld [smem:$0x3FAF];
	_ =	sdelay $0x3  }
0x36: {  	p1 =	seq.s32 s10, $0x1;
	s10 =	sld [smem:$0x3FB0];
	_ =	sdelay $0x3  }
0x37: {  	[smem:$0x3FB0] =	sst s10  }
0x38: {  	s10 =	sld [smem:$0x3FB1]  }
0x39: {  	_ = 	snop;
	(pc) =	sbr.ind lr, $3  }
0x3a: {  	_ = 	snop  }
0x3b: {  	_ = 	snop  }
0x3c: {  	p2 =	seq.s32 s10, $0x1;
	s10 =	sld [smem:$0x3FB0]  }
0x3d: {  	_ =	shalt  }
0x3e: {  	_ =	shalt  }
0x3f: {  	_ =	shalt  }
0x40: {  	_ =	shalt  }
0x41: {  	_ =	shalt  }
0x42: {  	_ =	shalt  }
0x43: {  	_ =	shalt  }
0x44: {  	_ =	shalt  }
0x45: {  	_ =	shalt  }
0x46: {  	_ =	shalt  }
0x47: {  	_ =	shalt  }
0x48: {  	_ =	shalt  }
0x49: {  	_ =	shalt  }
0x4a: {  	_ =	shalt  }
0x4b: {  	_ =	shalt  }
0x4c: {  	_ =	shalt  }
0x4d: {  	_ =	shalt  }
0x4e: {  	_ =	shalt  }
0x4f: {  	_ =	shalt  }
0x50: {  	_ =	shalt  }
0x51: {  	_ =	shalt  }
0x52: {  	_ =	shalt  }
0x53: {  	_ =	shalt  }
0x54: {  	_ =	shalt  }
0x55: {  	_ =	shalt  }
0x56: {  	_ =	shalt  }
0x57: {  	_ =	shalt  }
0x58: {  	_ =	shalt  }
0x59: {  	_ =	shalt  }
0x5a: {  	_ =	shalt  }
0x5b: {  	_ =	shalt  }
0x5c: {  	_ =	shalt  }
0x5d: {  	_ =	shalt  }
0x5e: {  	_ =	shalt  }
0x5f: {  	_ =	shalt  }
0x60: {  	_ =	shalt  }
0x61: {  	_ =	shalt  }
0x62: {  	_ =	shalt  }
0x63: {  	_ =	shalt  }
0x64: {  	_ =	shalt  }
0x65: {  	_ =	shalt  }
0x66: {  	_ =	shalt  }
0x67: {  	_ =	shalt  }
0x68: {  	_ =	shalt  }
0x69: {  	_ =	shalt  }
0x6a: {  	_ =	shalt  }
0x6b: {  	_ =	shalt  }
0x6c: {  	_ =	shalt  }
0x6d: {  	_ =	shalt  }
0x6e: {  	_ =	shalt  }
0x6f: {  	_ =	shalt  }
0x70: {  	_ =	shalt  }
0x71: {  	_ =	shalt  }
0x72: {  	_ =	shalt  }
0x73: {  	_ =	shalt  }
0x74: {  	_ =	shalt  }
0x75: {  	_ =	shalt  }
0x76: {  	_ =	shalt  }
0x77: {  	_ =	shalt  }
0x78: {  	_ =	shalt  }
0x79: {  	_ =	shalt  }
0x7a: {  	_ =	shalt  }
0x7b: {  	_ =	shalt  }
0x7c: {  	_ =	shalt  }
0x7d: {  	_ =	shalt  }
0x7e: {  	_ =	shalt  }
0x7f: {  	_ =	shalt  }
0x80: {  	_ =	shalt  }
0x81: {  	_ =	shalt  }
0x82: {  	_ =	shalt  }
0x83: {  	_ =	shalt  }
0x84: {  	_ =	shalt  }
0x85: {  	_ =	shalt  }
0x86: {  	_ =	shalt  }
0x87: {  	_ =	shalt  }
.Lfunc_end0:
.L_simem_size_0:
called_computation_lowered:
.L_overlay_start_0:
0x88: {  	s2 =	sld [smem:$0x3FD9]  }
0x89: {  	s3 =	sld [smem:$0x3FFE];
	_ =	sdelay $0x1  }
0x8a: {  	s1 =	srdreg.scid  }
0x8b: {  	s0 =	sand.u32 $0x1, s1  }
0x8c: {  	s14 =	sshll.u32 s0, $0xA;
	s2 =	sadd.s32 s3, s2  }
0x8d: {  	s2 =	sadd.s32 s2, s14  }
0x8e: {  	[smem:$0x3FBC] =	sst s2  }
0x8f: {  	_ = 	snop  }
0x90: {  	s2 =	sld [smem:$0x3FD0];
	_ =	sdelay $0x2  }
0x91: {  	s4 =	simm.s32 $0xA;
	s5 =	simm.s32 $0x10;
	s15 =	sld [smem:$0x3FC9]  }
0x92: {  	[smem:s5], [sflag:s4] =	dma.local [hbm:s2], $0x1  }
0x93: {  	_ =	swait.eq [sflag:s4], $0x1  }
0x94: {  	[sflag:s4] =	ssyncset.done $0x0  }
0x95: {  	[sflag:s4] =	ssyncadd.s32 $0xFFFFFFFF  }
0x96: {  	s16 =	sld [smem:$0x11];
	(tm) =	ssettm $0x1  }
0x97: {  	s17 =	sld [smem:$0x3FFB];
	_ =	sdelay $0x3  }
0x98: {  	_ =	strace s17  }
0x99: {  	s4 =	sld [smem:$0x3FFC];
	_ =	sdelay $0x3  }
0x9a: {  	_ =	strace s4  }
0x9b: {  	s4 =	sld [smem:$0x3FFD];
	_ =	sdelay $0x3  }
0x9c: {  	_ =	strace s4  }
0x9d: {  	_ =	strace $0x8FFFFFFF  }
0x9e: {  	s18 =	sld [smem:$0x3FDB];
	_ =	sdelay $0x1  }
0x9f: {  	s19 =	simm.s32 $_scs_section_size  }
0xa0: {  	s6 =	simm.s32 $_size__tile_overlayer_lowered;
	s7 =	simm.s32 $_tile_overlayer_lowered  }
0xa1: {  	s22 =	simm.s32 $0x1BFF;
	s21 =	sshll.u32 s7, $0x1;
	s4 =	sadd.s32 s19, s18  }
0xa2: {  	s8 =	simm.s32 $0x0;
	s20 =	sshll.u32 s6, $0x1;
	s6 =	sadd.s32 s21, s4  }
0xa3: {  	[timem:s8], [sflag:s22] =	dma.local [hbm:s6], s20  }
0xa4: {  	_ =	swait.ge [sflag:s22], s20  }
0xa5: {  	s5 =	ssub.s32 $0x0, s20;
	[sflag:s22] =	ssyncset.done $0x0  }
0xa6: {  	[sflag:s22] =	ssyncadd.s32 s5;
	_ =	sdelay $0x1  }
0xa7: {  	s23 =	simm.s32 $0x1B8B  }
0xa8: {  	_ =	swait.ge [sflag:s23], $0x1  }
0xa9: {  	[sflag:s23] =	ssyncset.done $0x0  }
0xaa: {  	s25 =	simm.s32 $0x1B8E;
	s24 =	sld [smem:$0x3FFE];
	[sflag:s23] =	ssyncadd.s32 $0xFFFFFFFF  }
0xab: {  	s26 =	simm.s32 $execute0_lowered;
	[smem:$0x3FD2] =	sst s25  }
0xac: {  	s6 =	sshll.u32 s26, $0x1;
	_ =	strace $0x80000046;
	[dreg:$0x1] =	wrdreg $0xFFFFFFFF  }
0xad: {  	s28 =	simm.s32 $_size_execute0_lowered;
	s4 =	sadd.s32 s4, s6;
	[dreg:$0x0] =	wrdreg $0x0  }
0xae: {  	s6 =	sshll.u32 s28, $0x1;
	[dreg:$0x2] =	wrdreg s4  }
0xaf: {  	[dreg:$0x3] =	wrdreg s6  }
0xb0: {  	[dreg:$0x4] =	wrdreg $0xC0  }
0xb1: {  	_ =	task [dreg:s8], $0x5FFFF  }
0xb2: {  	[dreg:$0x1] =	wrdreg $0xFFFFFFFF  }
0xb3: {  	[dreg:$0x0] =	wrdreg $0x60  }
0xb4: {  	[dreg:$0x2] =	wrdreg s15  }
0xb5: {  	[dreg:$0x3] =	wrdreg s24  }
0xb6: {  	[dreg:$0x4] =	wrdreg s16  }
0xb7: {  	[dreg:$0x5] =	wrdreg $0xA8000  }
0xb8: {  	[dreg:$0x6] =	wrdreg $0x1E8800  }
0xb9: {  	[dreg:$0x7] =	wrdreg $0x9  }
0xba: {  	_ =	task.clear_ibuf [dreg:s8], $0x8FFFF;
	_ =	strace $0x90000046  }
0xbb: {  	s29 =	simm.s32 $0x9;
	_ =	strace $0x80000048  }
0xbc: {  	_ =	swait.ge [sflag:s29], $0x1  }
0xbd: {  	[sflag:s29] =	ssyncadd.s32 $0xFFFFFFFF  }
0xbe: {  	_ =	strace $0x90000048  }
0xbf: {  	_ =	sfence  }
0xc0: {  	s30 =	sld [smem:$0x0];
	_ =	sdelay $0x2  }
0xc1: {  	s31 =	sshll.u32 s1, $0xD;
	s1 =	sshrl.u32 s1, $0x2  }
0xc2: {  	s3 =	sand.u32 $0x4000, s31;
	s1 =	sadd.s32 s1, s30  }
0xc3: {  	s0 =	sor.u32 s3, s0;
	s1 =	sshll.u32 s1, $0x11  }
0xc4: {  	s0 =	sor.u32 s1, s0  }
0xc5: {  	s0 =	sadd.s32 $0x8F2B, s0  }
0xc6: {  	[sflag:s0] =	ssyncadd.remote.s32 $0x1  }
0xc7: {  	_ =	sfence.sel $0xFFFF  }
0xc8: {  	[dreg:$0x0] =	wrdreg $0xFFFFFFFF;
	(pc) =	sbr.abs _section_cstart, $3  }
0xc9: {  	[dreg:$0x1] =	wrdreg $0xFFFFFFFF  }
0xca: {  	_ =	task.clear_ibuf [dreg:s8], $0x2FFFF;
	_ =	strace $0x9FFFFFFF  }
0xcb: {  	(tm) =	ssettm $0x7FFFFFFF  }
tec
execute0_lowered:
.L_overlay_start_1:
0x0: {  	(tag) =	ssettag $0x1  }
0x1: {  	s0 =	rddreg [dreg:$0x0]  }
0x2: {  	s6 =	rddreg [dreg:$0x1]  }
0x3: {  	s14 =	rddreg [dreg:$0x2]  }
0x4: {  	s3 =	rddreg [dreg:$0x3]  }
0x5: {  	s4 =	rddreg [dreg:$0x4];
	s2 =	stileid.u32  }
0x6: {  	s5 =	srdreg.scid;
	s28 =	simm.s32 $0x0;
	s8 =	smul.u32 $0x500, s2  }
0x7: {  	s7 =	sand.u32 $0x1, s5;
	s5 =	simm.s32 $0x0;
	s20 =	smul.u32 $0x14000, s2  }
0x8: {  	s11 =	sadd.s32 $0x2400, s6;
	s12 =	sadd.s32 $0xC400, s6;
	s13 =	smul.u32 $0x50000, s2  }
0x9: {  	s24 =	smul.u32 $0xA00, s2;
	s26 =	sshll.u32 s2, $0x6;
	s9 =	sshll.u32 s7, $0x7  }
0xa: {  	s10 =	smul.u32 $0x140000, s7;
	[smem:$0x7FF] =	sst s5;
	s21 =	ssub.s32 $0x2, s7  }
0xb: {  	s7 =	sshll.u32 s7, $0x4;
	s8 =	sor.u32 s9, s8;
	_ =	strace $0x80000047  }
0xc: {  	s22 =	sshrl.u32 s21, $0x1;
	s7 =	sor.u32 s2, s7;
	s23 =	sshrl.u32 s13, $0x2  }
0xd: {  	s29 =	sshrl.u32 s24, $0x2;
	s24 =	simm.s32 $0x6800;
	s15 =	sshrl.u32 s8, $0x3  }
0xe: {  	s9 =	sadd.s32 s20, s10;
	s17 =	ssub.s32 s21, s22;
	s18 =	sadd.s32 s23, s3  }
0xf: {  	s25 =	smul.u32 $0x2800, s7;
	s7 =	sor.u32 $0x1C03, s26;
	s19 =	sadd.s32 s29, s4  }
0x10: {  	s20 =	simm.s32 $0x10;
	s21 =	simm.s32 $0x20;
	s22 =	simm.s32 $0x2800  }
0x11: {  	s23 =	simm.s32 $0x80;
	s26 =	simm.s32 $0x2;
	s8 =	sadd.s32 s15, s6  }
0x12: {  	s9 =	sshrl.u32 s9, $0x3;
	s14 =	sadd.s32 s14, s15;
	s15 =	smax.u32 s17, $0x1  }
0x13: {  	s17 =	simm.s32 $0x3;
	s16 =	sadd.s32 s9, s6;
	s30 =	sshrl.u32 s25, $0x3  }
0x14: {  	s8 =	sadd.s32 $0x66400, s8;
	s25 =	simm.s32 $0x1E800;
	s6 =	sadd.s32 $0x16400, s16  }
0x15: {  	s9 =	sadd.s32 s11, s30;
	s31 =	sadd.s32 $0x280, s30;
	s10 =	sadd.s32 s12, s30  }
0x16: {  	s13 =	sadd.s32 $0x66E00, s16;
	s16 =	sshrl.u32 s18, $0x3;
	s18 =	sshrl.u32 s19, $0x3  }
0x17: {  	v0 =	vimm.f32 $1.000000000e+00;
	s19 =	simm.s32 $0x1;
	s11 =	sadd.s32 s11, s31;
	s12 =	sadd.s32 s12, s31  }
.LBB2_1:
0x18: {  	[spmem:s16], [sflag:s7] =	dma.local [hbm:s6], $0x2800  }
0x19: {  	_ =	swait.ge [sflag:s17], $0x2800  }
0x1a: {  	[sflag:s17] =	ssyncset.done $0x0  }
0x1b: {  	[sflag:s17] =	ssyncadd.s32 $0xFFFFD800  }
0x1c: {  	[spmem:s18@s20], [sflag:s7] =	dma.strided [hbm:s8@s21], $0x50, s19, $0x10   }
0x1d: {  	_ =	swait.ge [sflag:s17], $0x50  }
0x1e: {  	[sflag:s17] =	ssyncset.done $0x0  }
0x1f: {  	[sflag:s17] =	ssyncadd.s32 $0xFFFFFFB0  }
0x20: {  	[tilespmem:$0x1E800] =	vst v0  }
0x21: {  	[tilespmem:$0x1E810] =	vst v0  }
0x22: {  	[tilespmem:$0x1E820] =	vst v0  }
0x23: {  	[tilespmem:$0x1E830] =	vst v0  }
0x24: {  	[tilespmem:$0x1E840] =	vst v0  }
0x25: {  	[tilespmem:$0x1E850] =	vst v0  }
0x26: {  	[tilespmem:$0x1E860] =	vst v0  }
0x27: {  	[tilespmem:$0x1E870] =	vst v0  }
0x28: {  	[bflag:$0x0] =	sbarrier.arrive $0xFFFF  }
0x29: {  	[tilespmem:s5], [sflag:$0x3] =	stream.linear.gather [hbm4b:s9+s5], $0x1400, $0x38;
	[tilespmem:$0x1EB00] =	vst v63  }
0x2a: {  	_ =	swait.ge [sflag:s17], $0x1400  }
0x2b: {  	[sflag:s17] =	ssyncset.done $0x0  }
0x2c: {  	s29 =	simm.s32 $0x1400;
	[sflag:s17] =	ssyncadd.s32 $0xFFFFEC00  }
0x2d: {  	[tilespmem:s29], [sflag:$0x3] =	stream.linear.gather [hbm4b:s10+s5], $0x1400, $0x38;
	[tilespmem:$0x1EB00] =	vst v63  }
0x2e: {  	_ =	swait.ge [sflag:s17], $0x1400  }
0x2f: {  	[sflag:s17] =	ssyncset.done $0x0  }
0x30: {  	[sflag:s17] =	ssyncadd.s32 $0xFFFFEC00  }
0x31: {  	[tilespmem:s22], [sflag:$0x1] =	stream.indirect.gather [hbm4b:s0+s23], $0x80, s5, s23, $0xb8;
	[tilespmem:$0x1EB00] =	vst v63  }
0x32: {  	_ = 	snop  }
0x33: {  	[tilespmem:s24], [sflag:$0x2] =	stream.indirect.gather [hbm4b:s0+s23], $0x80, s23, s23, $0xb8;
	[tilespmem:$0x1EB00] =	vst v63  }
0x34: {  	_ =	swait.ge [sflag:s19], $0x4000  }
0x35: {  	[sflag:s19] =	ssyncset.done $0x0  }
0x36: {  	[sflag:s19] =	ssyncadd.s32 $0xFFFFC000  }
0x37: {  	[spmem:s3] =	stream.indirect.scatter.add.f32 [tilespmem:s22], [sflag:$0x3], $0x80, s29, s23, $0xb8;
	[tilespmem:$0x1EB00] =	vst v63  }
0x38: {  	_ =	swait.ge [sflag:s17], $0x4000  }
0x39: {  	[sflag:s17] =	ssyncset.done $0x0  }
0x3a: {  	[sflag:s17] =	ssyncadd.s32 $0xFFFFC000  }
0x3b: {  	[spmem:s4] =	stream.indirect.scatter.add.f32 [tilespmem:s25], [sflag:$0x3], $0x1, s29, s23, $0xb8;
	[tilespmem:$0x1EB00] =	vst v63  }
0x3c: {  	s30 =	smin.u32 s5, $0x24;
	_ =	swait.ge [sflag:s17], $0x80  }
0x3d: {  	s30 =	sshll.u32 s30, $0x7;
	[sflag:s17] =	ssyncset.done $0x0  }
0x3e: {  	s30 =	sadd.s32 $0x100, s30;
	[sflag:s17] =	ssyncadd.s32 $0xFFFFFF80  }
0x3f: {  	[tilespmem:s22], [sflag:$0x1] =	stream.indirect.gather [hbm4b:s0+s23], $0x80, s30, s23, $0xb8;
	[tilespmem:$0x1EB00] =	vst v63  }
0x40: {  	_ =	swait.ge [sflag:s26], $0x4000  }
0x41: {  	[sflag:s26] =	ssyncset.done $0x0  }
0x42: {  	s30 =	simm.s32 $0x1480;
	[sflag:s26] =	ssyncadd.s32 $0xFFFFC000  }
0x43: {  	[spmem:s3] =	stream.indirect.scatter.add.f32 [tilespmem:s24], [sflag:$0x3], $0x80, s30, s23, $0xb8;
	[tilespmem:$0x1EB00] =	vst v63  }
0x44: {  	_ =	swait.ge [sflag:s17], $0x4000  }
0x45: {  	[sflag:s17] =	ssyncset.done $0x0  }
0x46: {  	[sflag:s17] =	ssyncadd.s32 $0xFFFFC000  }
0x47: {  	[spmem:s4] =	stream.indirect.scatter.add.f32 [tilespmem:s25], [sflag:$0x3], $0x1, s30, s23, $0xb8;
	[tilespmem:$0x1EB00] =	vst v63  }
0x48: {  	_ =	swait.ge [sflag:s17], $0x80  }
0x49: {  	s31 =	simm.s32 $0x80;
	s30 =	simm.s32 $0x2;
	[sflag:s17] =	ssyncset.done $0x0  }
.LBB2_2:
0x4a: {  	[sflag:s17] =	ssyncadd.s32 $0xFFFFFF80  }
0x4b: {  	s29 =	sadd.s32 $0x100, s29;
	s31 =	sadd.s32 $0x100, s31;
	s1 =	smov.u32 s30  }
0x4c: {  	[tilespmem:s24], [sflag:$0x2] =	stream.indirect.gather [hbm4b:s0+s23], $0x80, s31, s23, $0xb8;
	[tilespmem:$0x1EB00] =	vst v63  }
0x4d: {  	p0 =	sne.s32 s30, $0x26;
	s30 =	sadd.s32 $0x2, s30;
	_ =	swait.ge [sflag:s19], $0x4000  }
0x4e: {  	[sflag:s19] =	ssyncset.done $0x0  }
0x4f: {  	[sflag:s19] =	ssyncadd.s32 $0xFFFFC000  }
0x50: {  	[spmem:s3] =	stream.indirect.scatter.add.f32 [tilespmem:s22], [sflag:$0x3], $0x80, s29, s23, $0xb8;
	[tilespmem:$0x1EB00] =	vst v63  }
0x51: {  	_ =	swait.ge [sflag:s17], $0x4000  }
0x52: {  	[sflag:s17] =	ssyncset.done $0x0  }
0x53: {  	[sflag:s17] =	ssyncadd.s32 $0xFFFFC000  }
0x54: {  	[spmem:s4] =	stream.indirect.scatter.add.f32 [tilespmem:s25], [sflag:$0x3], $0x1, s29, s23, $0xb8;
	[tilespmem:$0x1EB00] =	vst v63  }
0x55: {  	s1 =	smin.u32 s1, $0x24;
	_ =	swait.ge [sflag:s17], $0x80  }
0x56: {  	s1 =	sshll.u32 s1, $0x7;
	[sflag:s17] =	ssyncset.done $0x0  }
0x57: {  	s1 =	sadd.s32 $0x100, s1;
	[sflag:s17] =	ssyncadd.s32 $0xFFFFFF80  }
0x58: {  	[tilespmem:s22], [sflag:$0x1] =	stream.indirect.gather [hbm4b:s0+s23], $0x80, s1, s23, $0xb8;
	[tilespmem:$0x1EB00] =	vst v63  }
0x59: {  	_ =	swait.ge [sflag:s26], $0x4000  }
0x5a: {  	[sflag:s26] =	ssyncset.done $0x0  }
0x5b: {  	s1 =	sadd.s32 $0x80, s29;
	[sflag:s26] =	ssyncadd.s32 $0xFFFFC000  }
0x5c: {  	[spmem:s3] =	stream.indirect.scatter.add.f32 [tilespmem:s24], [sflag:$0x3], $0x80, s1, s23, $0xb8;
	[tilespmem:$0x1EB00] =	vst v63  }
0x5d: {  	_ =	swait.ge [sflag:s17], $0x4000  }
.Ltmp0:
0x5e: {  	[sflag:s17] =	ssyncset.done $0x0;
	(pc) =	sbr.rel @p0 .LBB2_2-.Ltmp0, $4  }
0x5f: {  	[sflag:s17] =	ssyncadd.s32 $0xFFFFC000  }
0x60: {  	[spmem:s4] =	stream.indirect.scatter.add.f32 [tilespmem:s25], [sflag:$0x3], $0x1, s1, s23, $0xb8;
	[tilespmem:$0x1EB00] =	vst v63  }
0x61: {  	_ =	swait.ge [sflag:s17], $0x80  }
0x62: {  	[sflag:s17] =	ssyncset.done $0x0  }
0x63: {  	[sflag:s17] =	ssyncadd.s32 $0xFFFFFF80  }
0x64: {  	_ =	swait.ge [sflag:s19], $0x4000  }
0x65: {  	[sflag:s19] =	ssyncset.done $0x0  }
0x66: {  	s1 =	simm.s32 $0x0;
	[sflag:s19] =	ssyncadd.s32 $0xFFFFC000  }
0x67: {  	[tilespmem:s1], [sflag:$0x3] =	stream.linear.gather [hbm4b:s11+s1], $0x1400, $0x38;
	[tilespmem:$0x1EB00] =	vst v63  }
0x68: {  	_ =	swait.ge [sflag:s17], $0x1400  }
0x69: {  	[sflag:s17] =	ssyncset.done $0x0  }
0x6a: {  	s29 =	simm.s32 $0x1400;
	[sflag:s17] =	ssyncadd.s32 $0xFFFFEC00  }
0x6b: {  	[tilespmem:s29], [sflag:$0x3] =	stream.linear.gather [hbm4b:s12+s1], $0x1400, $0x38;
	[tilespmem:$0x1EB00] =	vst v63  }
0x6c: {  	_ =	swait.ge [sflag:s17], $0x1400  }
0x6d: {  	[sflag:s17] =	ssyncset.done $0x0  }
0x6e: {  	s30 =	simm.s32 $0x80;
	[sflag:s17] =	ssyncadd.s32 $0xFFFFEC00  }
0x6f: {  	[tilespmem:s22], [sflag:$0x1] =	stream.indirect.gather [hbm4b:s0+s30], $0x80, s1, s30, $0xb8;
	[tilespmem:$0x1EB00] =	vst v63  }
0x70: {  	_ = 	snop  }
0x71: {  	[tilespmem:s24], [sflag:$0x2] =	stream.indirect.gather [hbm4b:s0+s23], $0x80, s30, s23, $0xb8;
	[tilespmem:$0x1EB00] =	vst v63  }
0x72: {  	_ =	swait.ge [sflag:s19], $0x4000  }
0x73: {  	[sflag:s19] =	ssyncset.done $0x0  }
0x74: {  	[sflag:s19] =	ssyncadd.s32 $0xFFFFC000  }
0x75: {  	[spmem:s3] =	stream.indirect.scatter.add.f32 [tilespmem:s22], [sflag:$0x3], $0x80, s29, s23, $0xb8;
	[tilespmem:$0x1EB00] =	vst v63  }
0x76: {  	_ =	swait.ge [sflag:s17], $0x4000  }
0x77: {  	[sflag:s17] =	ssyncset.done $0x0  }
0x78: {  	[sflag:s17] =	ssyncadd.s32 $0xFFFFC000  }
0x79: {  	[spmem:s4] =	stream.indirect.scatter.add.f32 [tilespmem:s25], [sflag:$0x3], $0x1, s29, s23, $0xb8;
	[tilespmem:$0x1EB00] =	vst v63  }
0x7a: {  	s1 =	smin.u32 s1, $0x24;
	_ =	swait.ge [sflag:s17], $0x80  }
0x7b: {  	s1 =	sshll.u32 s1, $0x7;
	[sflag:s17] =	ssyncset.done $0x0  }
0x7c: {  	s1 =	sadd.s32 $0x100, s1;
	[sflag:s17] =	ssyncadd.s32 $0xFFFFFF80  }
0x7d: {  	[tilespmem:s22], [sflag:$0x1] =	stream.indirect.gather [hbm4b:s0+s23], $0x80, s1, s23, $0xb8;
	[tilespmem:$0x1EB00] =	vst v63  }
0x7e: {  	_ =	swait.ge [sflag:s26], $0x4000  }
0x7f: {  	[sflag:s26] =	ssyncset.done $0x0  }
0x80: {  	s1 =	simm.s32 $0x1480;
	[sflag:s26] =	ssyncadd.s32 $0xFFFFC000  }
0x81: {  	[spmem:s3] =	stream.indirect.scatter.add.f32 [tilespmem:s24], [sflag:$0x3], $0x80, s1, s23, $0xb8;
	[tilespmem:$0x1EB00] =	vst v63  }
0x82: {  	_ =	swait.ge [sflag:s17], $0x4000  }
0x83: {  	[sflag:s17] =	ssyncset.done $0x0  }
0x84: {  	[sflag:s17] =	ssyncadd.s32 $0xFFFFC000  }
0x85: {  	[spmem:s4] =	stream.indirect.scatter.add.f32 [tilespmem:s25], [sflag:$0x3], $0x1, s1, s23, $0xb8;
	[tilespmem:$0x1EB00] =	vst v63  }
0x86: {  	_ =	swait.ge [sflag:s17], $0x80  }
0x87: {  	s31 =	simm.s32 $0x2;
	[sflag:s17] =	ssyncset.done $0x0  }
.LBB2_4:
0x88: {  	[sflag:s17] =	ssyncadd.s32 $0xFFFFFF80  }
0x89: {  	s29 =	sadd.s32 $0x100, s29;
	s30 =	sadd.s32 $0x100, s30;
	s1 =	smov.u32 s31  }
0x8a: {  	[tilespmem:s24], [sflag:$0x2] =	stream.indirect.gather [hbm4b:s0+s23], $0x80, s30, s23, $0xb8;
	[tilespmem:$0x1EB00] =	vst v63  }
0x8b: {  	p0 =	sne.s32 s31, $0x26;
	s31 =	sadd.s32 $0x2, s31;
	_ =	swait.ge [sflag:s19], $0x4000  }
0x8c: {  	[sflag:s19] =	ssyncset.done $0x0  }
0x8d: {  	[sflag:s19] =	ssyncadd.s32 $0xFFFFC000  }
0x8e: {  	[spmem:s3] =	stream.indirect.scatter.add.f32 [tilespmem:s22], [sflag:$0x3], $0x80, s29, s23, $0xb8;
	[tilespmem:$0x1EB00] =	vst v63  }
0x8f: {  	_ =	swait.ge [sflag:s17], $0x4000  }
0x90: {  	[sflag:s17] =	ssyncset.done $0x0  }
0x91: {  	[sflag:s17] =	ssyncadd.s32 $0xFFFFC000  }
0x92: {  	[spmem:s4] =	stream.indirect.scatter.add.f32 [tilespmem:s25], [sflag:$0x3], $0x1, s29, s23, $0xb8;
	[tilespmem:$0x1EB00] =	vst v63  }
0x93: {  	s1 =	smin.u32 s1, $0x24;
	_ =	swait.ge [sflag:s17], $0x80  }
0x94: {  	s1 =	sshll.u32 s1, $0x7;
	[sflag:s17] =	ssyncset.done $0x0  }
0x95: {  	s1 =	sadd.s32 $0x100, s1;
	[sflag:s17] =	ssyncadd.s32 $0xFFFFFF80  }
0x96: {  	[tilespmem:s22], [sflag:$0x1] =	stream.indirect.gather [hbm4b:s0+s23], $0x80, s1, s23, $0xb8;
	[tilespmem:$0x1EB00] =	vst v63  }
0x97: {  	_ =	swait.ge [sflag:s26], $0x4000  }
0x98: {  	[sflag:s26] =	ssyncset.done $0x0  }
0x99: {  	s1 =	sadd.s32 $0x80, s29;
	[sflag:s26] =	ssyncadd.s32 $0xFFFFC000  }
0x9a: {  	[spmem:s3] =	stream.indirect.scatter.add.f32 [tilespmem:s24], [sflag:$0x3], $0x80, s1, s23, $0xb8;
	[tilespmem:$0x1EB00] =	vst v63  }
0x9b: {  	_ =	swait.ge [sflag:s17], $0x4000  }
.Ltmp1:
0x9c: {  	[sflag:s17] =	ssyncset.done $0x0;
	(pc) =	sbr.rel @p0 .LBB2_4-.Ltmp1, $4  }
0x9d: {  	[sflag:s17] =	ssyncadd.s32 $0xFFFFC000  }
0x9e: {  	[spmem:s4] =	stream.indirect.scatter.add.f32 [tilespmem:s25], [sflag:$0x3], $0x1, s1, s23, $0xb8;
	[tilespmem:$0x1EB00] =	vst v63  }
0x9f: {  	_ =	swait.ge [sflag:s17], $0x80  }
0xa0: {  	[sflag:s17] =	ssyncset.done $0x0  }
0xa1: {  	[sflag:s17] =	ssyncadd.s32 $0xFFFFFF80  }
0xa2: {  	_ =	swait.ge [sflag:s19], $0x4000  }
0xa3: {  	[sflag:s19] =	ssyncset.done $0x0  }
0xa4: {  	[sflag:s19] =	ssyncadd.s32 $0xFFFFC000  }
0xa5: {  	[bflag:$0x0] =	sbarrier.arrive $0xFFFF  }
0xa6: {  	[hbm:s13], [sflag:s7] =	dma.local [spmem:s16], $0x2800  }
0xa7: {  	s28 =	sadd.s32 $0x1, s28;
	_ =	swait.ge [sflag:s17], $0x2800  }
0xa8: {  	p0 =	sne.s32 s28, s15;
	[sflag:s17] =	ssyncset.done $0x0  }
.Ltmp2:
0xa9: {  	[sflag:s17] =	ssyncadd.s32 $0xFFFFD800;
	(pc) =	sbr.rel @p0 .LBB2_1-.Ltmp2, $4  }
0xaa: {  	[hbm:s14@s21], [sflag:s7] =	dma.strided [spmem:s18@s20], $0x50, s19, $0x10   }
0xab: {  	_ =	swait.ge [sflag:s17], $0x50  }
0xac: {  	[sflag:s17] =	ssyncset.done $0x0  }
0xad: {  	[sflag:s17] =	ssyncadd.s32 $0xFFFFFFB0  }
0xae: {  	_ =	sfence.sel $0x180000  }
0xaf: {  	[bflag:$0x0] =	sbarrier.arrive $0xFFFF  }
0xb0: {  	_ =	strace $0x90000047  }
0xb1: {  	[bflag:$0x2] =	sbarrier.arrive $0xFFFF  }
0xb2: {  	p0 =	sne.s32 s2, $0x0;
	s0 =	rddreg [dreg:$0x5]  }
0xb3: {  	s0 =	sadd.s32 @!p0 $0x100000, s0  }
0xb4: {  	[sflag:s0] =	ssyncadd.tile.s32 @!p0 $0x1;
	_ =	shalt  }
.Lfunc_end2:
_tile_overlayer_lowered:
.L_overlay_start_2:
0xb5: {  	(tag) =	ssettag $0x2  }
0xb6: {  	s0 =	rddreg [dreg:$0x0];
	s2 =	stileid.u32  }
0xb7: {  	s1 =	rddreg [dreg:$0x1];
	p0 =	sne.s32 s2, $0x0  }
0xb8: {  	s3 =	rddreg [dreg:$0x2];
	[bflag:$0x3] =	sbarrier.arrive $0xFFFF;
	s2 =	simm.s32 @!p0 $0x1C03  }
0xb9: {  	[timem:s3], [sflag:s2] =	dma.local @!p0 [hbm:s0], s1  }
0xba: {  	s0 =	simm.s32 @!p0 $0x3  }
0xbb: {  	_ =	swait.ge @!p0 [sflag:s0], s1  }
0xbc: {  	s1 =	ssub.s32 @!p0 $0x0, s1;
	[sflag:s0] =	ssyncset.done @!p0 $0x0  }
0xbd: {  	[sflag:s0] =	ssyncadd.s32 @!p0 s1  }
0xbe: {  	[bflag:$0x3] =	sbarrier.arrive $0xFFFF  }
0xbf: {  	_ =	shalt  }

// kernel: kernel.9.cloned.1.call-start
scs
__scs_entry_jumppad:
0x0: {  	(pc) =	sbr.rel $0x88, $3  }
0x1: {  	(tag) =	ssettag $0x0;
	lr =	simm.s32 $0x1  }
0x2: {  	[smem:$0x3F95] =	sst lr;
	_ =	strace $0xD0000000  }
0x3: {  	_ = 	snop  }
0x4: {  	_ = 	snop  }
0x5: {  	_ = 	snop  }
0x6: {  	_ = 	snop  }
0x7: {  	_ = 	snop  }
__scs_overlays_trampoline_lowered:
0x8: {  	[smem:$0x3FA4] =	sst s0  }
0x9: {  	[smem:$0x3FA5] =	sst s1  }
0xa: {  	[smem:$0x3FA6] =	sst s2  }
0xb: {  	[smem:$0x3FA7] =	sst s3  }
0xc: {  	[smem:$0x3FA8] =	sst s4  }
0xd: {  	[smem:$0x3FA9] =	sst s5  }
0xe: {  	[smem:$0x3FAA] =	sst s6  }
0xf: {  	[smem:$0x3FAB] =	sst s7  }
0x10: {  	[smem:$0x3FAC] =	sst s8  }
0x11: {  	[smem:$0x3FAD] =	sst s9;
	s0 =	simm.s32 @!p0 $0x0  }
0x12: {  	s1 =	sld [smem:$0x3F93];
	s0 =	simm.s32 @p0 $0x1  }
0x13: {  	[smem:$0x3FAE] =	sst s0;
	s0 =	simm.s32 @!p1 $0x0  }
0x14: {  	s2 =	sld [smem:$0x3F92];
	s0 =	simm.s32 @p1 $0x1  }
0x15: {  	[smem:$0x3FAF] =	sst s0;
	s0 =	simm.s32 @!p2 $0x0  }
0x16: {  	s3 =	sld [smem:$0x3FDB];
	s0 =	simm.s32 @p2 $0x1  }
0x17: {  	s4 =	simm.s32 $0x1BF5;
	[smem:$0x3FB1] =	sst s0  }
0x18: {  	s0 =	sld [smem:$0x3F94];
	_ =	swait.ge [sflag:s4], $0x0  }
0x19: {  	s7 =	sld [smem:$0x3F95]  }
0x1a: {  	s8 =	sadd.s32 $0xFFFFE003, lr  }
0x1b: {  	s9 =	sadd.s32 $0xFFFFFEF7, lr;
	s5 =	simm.s32 $0xFFFFFFFF;
	p2 =	slt.u32 s8, $0xFFFFF086  }
0x1c: {  	p1 =	slt.u32 s9, $0xF7A;
	s5 =	simm.s32 @!p2 $0x0  }
0x1d: {  	s5 =	simm.s32 @p1 $0x1;
	p0 =	seq.s32 s7, s2  }
0x1e: {  	s7 =	smul.u32 @!p0 $0xF7A, s2;
	p2 =	seq.s32 @!p0 s5, $0x0  }
0x1f: {  	s9 =	smul.u32 $0xF7A, s1;
	s8 =	simm.s32 @!p0 $0x1BF5;
	p2 =	por !p2, p0  }
0x20: {  	[sflag:s8] =	ssyncset.s32 @!p0 $0xFFFFF086;
	s6 =	sadd.s32 @!p0 s3, s7;
	s7 =	simm.s32 @!p0 $0x108  }
0x21: {  	s3 =	sadd.s32 s3, s9;
	s6 =	sadd.s32 @!p0 $0x88, s6;
	s7 =	simm.s32 @p2 $0x1082  }
0x22: {  	[simem:s7], [sflag:s8] =	dma.local @!p0 [hbm:s6], $0xF7A  }
0x23: {  	s9 =	sor.u32 $0xD0000000, s2;
	s6 =	simm.s32 $0x108;
	_ =	swait.ge @!p0 [sflag:s8], $0x0  }
0x24: {  	s3 =	sadd.s32 $0x88, s3;
	s6 =	simm.s32 @!p1 $0x1082;
	[sflag:s4] =	ssyncset.s32 $0xFFFFF086  }
0x25: {  	[simem:s6], [sflag:s4] =	dma.local [hbm:s3], $0xF7A  }
0x26: {  	[smem:$0x3F95] =	sst s1;
	(tag) =	ssettag s2;
	_ =	strace s9  }
0x27: {  	s1 =	sld [smem:$0x3FA5]  }
0x28: {  	s2 =	sld [smem:$0x3FA6]  }
0x29: {  	s4 =	sld [smem:$0x3FA8]  }
0x2a: {  	p0 =	seq.s32 s5, $0x0;
	s5 =	sld [smem:$0x3FA9]  }
0x2b: {  	s6 =	sld [smem:$0x3FAA]  }
0x2c: {  	s7 =	sld [smem:$0x3FAB]  }
0x2d: {  	s3 =	simm.s32 $0x108;
	s8 =	sld [smem:$0x3FAC]  }
0x2e: {  	s3 =	simm.s32 @!p0 $0x1082;
	s9 =	sld [smem:$0x3FAD]  }
0x2f: {  	lr =	sadd.s32 s0, s3;
	s0 =	sld [smem:$0x3FA4]  }
0x30: {  	s3 =	sld [smem:$0x3FA7]  }
0x31: {  	[smem:$0x3FB0] =	sst s10  }
0x32: {  	s10 =	sld [smem:$0x3FAE];
	_ =	sdelay $0x3  }
0x33: {  	p0 =	seq.s32 s10, $0x1;
	s10 =	sld [smem:$0x3FB0];
	_ =	sdelay $0x3  }
0x34: {  	[smem:$0x3FB0] =	sst s10  }
0x35: {  	s10 =	sld [smem:$0x3FAF];
	_ =	sdelay $0x3  }
0x36: {  	p1 =	seq.s32 s10, $0x1;
	s10 =	sld [smem:$0x3FB0];
	_ =	sdelay $0x3  }
0x37: {  	[smem:$0x3FB0] =	sst s10  }
0x38: {  	s10 =	sld [smem:$0x3FB1]  }
0x39: {  	_ = 	snop;
	(pc) =	sbr.ind lr, $3  }
0x3a: {  	_ = 	snop  }
0x3b: {  	_ = 	snop  }
0x3c: {  	p2 =	seq.s32 s10, $0x1;
	s10 =	sld [smem:$0x3FB0]  }
0x3d: {  	_ =	shalt  }
0x3e: {  	_ =	shalt  }
0x3f: {  	_ =	shalt  }
0x40: {  	_ =	shalt  }
0x41: {  	_ =	shalt  }
0x42: {  	_ =	shalt  }
0x43: {  	_ =	shalt  }
0x44: {  	_ =	shalt  }
0x45: {  	_ =	shalt  }
0x46: {  	_ =	shalt  }
0x47: {  	_ =	shalt  }
0x48: {  	_ =	shalt  }
0x49: {  	_ =	shalt  }
0x4a: {  	_ =	shalt  }
0x4b: {  	_ =	shalt  }
0x4c: {  	_ =	shalt  }
0x4d: {  	_ =	shalt  }
0x4e: {  	_ =	shalt  }
0x4f: {  	_ =	shalt  }
0x50: {  	_ =	shalt  }
0x51: {  	_ =	shalt  }
0x52: {  	_ =	shalt  }
0x53: {  	_ =	shalt  }
0x54: {  	_ =	shalt  }
0x55: {  	_ =	shalt  }
0x56: {  	_ =	shalt  }
0x57: {  	_ =	shalt  }
0x58: {  	_ =	shalt  }
0x59: {  	_ =	shalt  }
0x5a: {  	_ =	shalt  }
0x5b: {  	_ =	shalt  }
0x5c: {  	_ =	shalt  }
0x5d: {  	_ =	shalt  }
0x5e: {  	_ =	shalt  }
0x5f: {  	_ =	shalt  }
0x60: {  	_ =	shalt  }
0x61: {  	_ =	shalt  }
0x62: {  	_ =	shalt  }
0x63: {  	_ =	shalt  }
0x64: {  	_ =	shalt  }
0x65: {  	_ =	shalt  }
0x66: {  	_ =	shalt  }
0x67: {  	_ =	shalt  }
0x68: {  	_ =	shalt  }
0x69: {  	_ =	shalt  }
0x6a: {  	_ =	shalt  }
0x6b: {  	_ =	shalt  }
0x6c: {  	_ =	shalt  }
0x6d: {  	_ =	shalt  }
0x6e: {  	_ =	shalt  }
0x6f: {  	_ =	shalt  }
0x70: {  	_ =	shalt  }
0x71: {  	_ =	shalt  }
0x72: {  	_ =	shalt  }
0x73: {  	_ =	shalt  }
0x74: {  	_ =	shalt  }
0x75: {  	_ =	shalt  }
0x76: {  	_ =	shalt  }
0x77: {  	_ =	shalt  }
0x78: {  	_ =	shalt  }
0x79: {  	_ =	shalt  }
0x7a: {  	_ =	shalt  }
0x7b: {  	_ =	shalt  }
0x7c: {  	_ =	shalt  }
0x7d: {  	_ =	shalt  }
0x7e: {  	_ =	shalt  }
0x7f: {  	_ =	shalt  }
0x80: {  	_ =	shalt  }
0x81: {  	_ =	shalt  }
0x82: {  	_ =	shalt  }
0x83: {  	_ =	shalt  }
0x84: {  	_ =	shalt  }
0x85: {  	_ =	shalt  }
0x86: {  	_ =	shalt  }
0x87: {  	_ =	shalt  }
.Lfunc_end0:
.L_simem_size_0:
called_computation.1_lowered:
.L_overlay_start_0:
0x88: {  	s2 =	sld [smem:$0x3FD9]  }
0x89: {  	s3 =	sld [smem:$0x3FFE];
	_ =	sdelay $0x1  }
0x8a: {  	s1 =	srdreg.scid  }
0x8b: {  	s0 =	sand.u32 $0x1, s1  }
0x8c: {  	s14 =	sshll.u32 s0, $0xA;
	s2 =	sadd.s32 s3, s2  }
0x8d: {  	s2 =	sadd.s32 s2, s14  }
0x8e: {  	[smem:$0x3FBC] =	sst s2  }
0x8f: {  	_ = 	snop  }
0x90: {  	s2 =	sld [smem:$0x3FD0];
	_ =	sdelay $0x2  }
0x91: {  	s15 =	simm.s32 $0xA;
	s4 =	simm.s32 $0x10  }
0x92: {  	[smem:s4], [sflag:s15] =	dma.local [hbm:s2], $0x1  }
0x93: {  	_ =	swait.eq [sflag:s15], $0x1  }
0x94: {  	[sflag:s15] =	ssyncset.done $0x0  }
0x95: {  	[sflag:s15] =	ssyncadd.s32 $0xFFFFFFFF  }
0x96: {  	s16 =	sld [smem:$0x11];
	(tm) =	ssettm $0x1  }
0x97: {  	s17 =	sld [smem:$0x3FFB];
	_ =	sdelay $0x3  }
0x98: {  	_ =	strace s17  }
0x99: {  	s3 =	sld [smem:$0x3FFC];
	_ =	sdelay $0x3  }
0x9a: {  	_ =	strace s3  }
0x9b: {  	s3 =	sld [smem:$0x3FFD];
	_ =	sdelay $0x3  }
0x9c: {  	_ =	strace s3  }
0x9d: {  	_ =	strace $0x8FFFFFFF  }
0x9e: {  	s18 =	sld [smem:$0x3FDB];
	_ =	sdelay $0x1  }
0x9f: {  	s19 =	simm.s32 $_scs_section_size  }
0xa0: {  	s5 =	simm.s32 $_size__tile_overlayer_lowered;
	s6 =	simm.s32 $_tile_overlayer_lowered  }
0xa1: {  	s22 =	simm.s32 $0x1BFF;
	s21 =	sshll.u32 s6, $0x1;
	s3 =	sadd.s32 s19, s18  }
0xa2: {  	s7 =	simm.s32 $0x0;
	s20 =	sshll.u32 s5, $0x1;
	s5 =	sadd.s32 s21, s3  }
0xa3: {  	[timem:s7], [sflag:s22] =	dma.local [hbm:s5], s20  }
0xa4: {  	_ =	swait.ge [sflag:s22], s20  }
0xa5: {  	s4 =	ssub.s32 $0x0, s20;
	[sflag:s22] =	ssyncset.done $0x0  }
0xa6: {  	[sflag:s22] =	ssyncadd.s32 s4;
	_ =	sdelay $0x1  }
0xa7: {  	s23 =	simm.s32 $0x1B8B  }
0xa8: {  	_ =	swait.ge [sflag:s23], $0x1  }
0xa9: {  	[sflag:s23] =	ssyncset.done $0x0  }
0xaa: {  	s25 =	simm.s32 $0x1B8E;
	s24 =	sld [smem:$0x3FFE];
	[sflag:s23] =	ssyncadd.s32 $0xFFFFFFFF  }
0xab: {  	s26 =	simm.s32 $execute0_lowered;
	[smem:$0x3FD2] =	sst s25  }
0xac: {  	s5 =	sshll.u32 s26, $0x1;
	_ =	strace $0x80000049;
	[dreg:$0x1] =	wrdreg $0xFFFFFFFF  }
0xad: {  	s28 =	simm.s32 $_size_execute0_lowered;
	s3 =	sadd.s32 s3, s5;
	[dreg:$0x0] =	wrdreg $0x0  }
0xae: {  	s5 =	sshll.u32 s28, $0x1;
	[dreg:$0x2] =	wrdreg s3  }
0xaf: {  	[dreg:$0x3] =	wrdreg s5  }
0xb0: {  	[dreg:$0x4] =	wrdreg $0xC0  }
0xb1: {  	_ =	task [dreg:s7], $0x5FFFF  }
0xb2: {  	[dreg:$0x1] =	wrdreg $0xFFFFFFFF  }
0xb3: {  	[dreg:$0x0] =	wrdreg $0x60  }
0xb4: {  	[dreg:$0x2] =	wrdreg s16  }
0xb5: {  	[dreg:$0x3] =	wrdreg s24  }
0xb6: {  	[dreg:$0x4] =	wrdreg $0xA8000  }
0xb7: {  	[dreg:$0x5] =	wrdreg $0x9  }
0xb8: {  	_ =	task.clear_ibuf [dreg:s7], $0x6FFFF;
	_ =	strace $0x90000049  }
0xb9: {  	s29 =	simm.s32 $0x9;
	_ =	strace $0x8000004B  }
0xba: {  	_ =	swait.ge [sflag:s29], $0x1  }
0xbb: {  	[sflag:s29] =	ssyncadd.s32 $0xFFFFFFFF  }
0xbc: {  	_ =	strace $0x9000004B  }
0xbd: {  	_ =	sfence  }
0xbe: {  	s30 =	sld [smem:$0x0];
	_ =	sdelay $0x2  }
0xbf: {  	s31 =	sshll.u32 s1, $0xD;
	s1 =	sshrl.u32 s1, $0x2  }
0xc0: {  	s3 =	sand.u32 $0x4000, s31;
	s1 =	sadd.s32 s1, s30  }
0xc1: {  	s0 =	sor.u32 s3, s0;
	s1 =	sshll.u32 s1, $0x11  }
0xc2: {  	s0 =	sor.u32 s1, s0  }
0xc3: {  	s0 =	sadd.s32 $0x8F2B, s0  }
0xc4: {  	[sflag:s0] =	ssyncadd.remote.s32 $0x1  }
0xc5: {  	_ =	sfence.sel $0xFFFF  }
0xc6: {  	[dreg:$0x0] =	wrdreg $0xFFFFFFFF;
	(pc) =	sbr.abs _section_cstart, $3  }
0xc7: {  	[dreg:$0x1] =	wrdreg $0xFFFFFFFF  }
0xc8: {  	_ =	task.clear_ibuf [dreg:s7], $0x2FFFF;
	_ =	strace $0x9FFFFFFF  }
0xc9: {  	(tm) =	ssettm $0x7FFFFFFF  }
tec
execute0_lowered:
.L_overlay_start_1:
0x0: {  	(tag) =	ssettag $0x1  }
0x1: {  	s1 =	rddreg [dreg:$0x0]  }
0x2: {  	s5 =	rddreg [dreg:$0x1]  }
0x3: {  	s2 =	rddreg [dreg:$0x2]  }
0x4: {  	s3 =	srdreg.scid;
	s0 =	rddreg [dreg:$0x3];
	s4 =	simm.s32 $0x0  }
0x5: {  	s15 =	simm.s32 $0x2800;
	s16 =	simm.s32 $0x80;
	s17 =	simm.s32 $0x6800  }
0x6: {  	s18 =	simm.s32 $0x1;
	s19 =	simm.s32 $0x2;
	s6 =	sand.u32 $0x1, s3  }
0x7: {  	s20 =	simm.s32 $0x0;
	s3 =	stileid.u32;
	s7 =	smul.u32 $0x140000, s6  }
0x8: {  	[smem:$0x7FF] =	sst s4;
	s9 =	sadd.s32 $0x2400, s5;
	s8 =	smul.u32 $0x14000, s3  }
0x9: {  	s10 =	sadd.s32 $0xC400, s5;
	_ =	strace $0x8000004A;
	s26 =	smul.u32 $0x50000, s3  }
0xa: {  	s11 =	sshll.u32 s6, $0x4;
	s28 =	ssub.s32 $0x2, s6;
	s31 =	sshll.u32 s3, $0x6  }
0xb: {  	s29 =	sor.u32 s3, s11;
	s30 =	sshrl.u32 s28, $0x1;
	s7 =	sadd.s32 s8, s7  }
0xc: {  	s6 =	sor.u32 $0x1C03, s31;
	s11 =	smul.u32 $0x2800, s29;
	s7 =	sshrl.u32 s7, $0x3  }
0xd: {  	s8 =	sshrl.u32 s26, $0x2;
	s13 =	ssub.s32 s28, s30;
	s12 =	sadd.s32 s7, s5  }
0xe: {  	s14 =	sadd.s32 s8, s2;
	s11 =	sshrl.u32 s11, $0x3;
	s5 =	sadd.s32 $0x16400, s12  }
0xf: {  	s7 =	sadd.s32 s9, s11;
	s8 =	sadd.s32 s10, s11;
	s11 =	sadd.s32 $0x280, s11  }
0x10: {  	s9 =	sadd.s32 s9, s11;
	s10 =	sadd.s32 s10, s11;
	s11 =	sadd.s32 $0x66E00, s12  }
0x11: {  	s12 =	smax.u32 s13, $0x1;
	s13 =	sshrl.u32 s14, $0x3;
	s14 =	simm.s32 $0x3  }
.LBB2_1:
0x12: {  	[spmem:s13], [sflag:s6] =	dma.local [hbm:s5], $0x2800  }
0x13: {  	_ =	swait.ge [sflag:s14], $0x2800  }
0x14: {  	[sflag:s14] =	ssyncset.done $0x0  }
0x15: {  	[sflag:s14] =	ssyncadd.s32 $0xFFFFD800  }
0x16: {  	[bflag:$0x0] =	sbarrier.arrive $0xFFFF  }
0x17: {  	[tilespmem:s4], [sflag:$0x3] =	stream.linear.gather [hbm4b:s7+s4], $0x1400, $0x38;
	[tilespmem:$0x1E800] =	vst v63  }
0x18: {  	_ =	swait.ge [sflag:s14], $0x1400  }
0x19: {  	[sflag:s14] =	ssyncset.done $0x0  }
0x1a: {  	s21 =	simm.s32 $0x1400;
	[sflag:s14] =	ssyncadd.s32 $0xFFFFEC00  }
0x1b: {  	[tilespmem:s21], [sflag:$0x3] =	stream.linear.gather [hbm4b:s8+s4], $0x1400, $0x38;
	[tilespmem:$0x1E800] =	vst v63  }
0x1c: {  	_ =	swait.ge [sflag:s14], $0x1400  }
0x1d: {  	[sflag:s14] =	ssyncset.done $0x0  }
0x1e: {  	[sflag:s14] =	ssyncadd.s32 $0xFFFFEC00  }
0x1f: {  	[tilespmem:s15], [sflag:$0x1] =	stream.indirect.gather [hbm4b:s1+s16], $0x80, s4, s16, $0xb8;
	[tilespmem:$0x1E800] =	vst v63  }
0x20: {  	_ = 	snop  }
0x21: {  	[tilespmem:s17], [sflag:$0x2] =	stream.indirect.gather [hbm4b:s1+s16], $0x80, s16, s16, $0xb8;
	[tilespmem:$0x1E800] =	vst v63  }
0x22: {  	_ =	swait.ge [sflag:s18], $0x4000  }
0x23: {  	[sflag:s18] =	ssyncset.done $0x0  }
0x24: {  	[sflag:s18] =	ssyncadd.s32 $0xFFFFC000  }
0x25: {  	[spmem:s2] =	stream.indirect.scatter.add.f32 [tilespmem:s15], [sflag:$0x3], $0x80, s21, s16, $0xb8;
	[tilespmem:$0x1E800] =	vst v63  }
0x26: {  	s22 =	smin.u32 s4, $0x24;
	_ =	swait.ge [sflag:s14], $0x4000  }
0x27: {  	s22 =	sshll.u32 s22, $0x7;
	[sflag:s14] =	ssyncset.done $0x0  }
0x28: {  	s22 =	sadd.s32 $0x100, s22;
	[sflag:s14] =	ssyncadd.s32 $0xFFFFC000  }
0x29: {  	[tilespmem:s15], [sflag:$0x1] =	stream.indirect.gather [hbm4b:s1+s16], $0x80, s22, s16, $0xb8;
	[tilespmem:$0x1E800] =	vst v63  }
0x2a: {  	_ =	swait.ge [sflag:s19], $0x4000  }
0x2b: {  	[sflag:s19] =	ssyncset.done $0x0  }
0x2c: {  	s31 =	simm.s32 $0x1480;
	[sflag:s19] =	ssyncadd.s32 $0xFFFFC000  }
0x2d: {  	[spmem:s2] =	stream.indirect.scatter.add.f32 [tilespmem:s17], [sflag:$0x3], $0x80, s31, s16, $0xb8;
	[tilespmem:$0x1E800] =	vst v63  }
0x2e: {  	_ =	swait.ge [sflag:s14], $0x4000  }
0x2f: {  	s23 =	simm.s32 $0x80;
	s22 =	simm.s32 $0x2;
	[sflag:s14] =	ssyncset.done $0x0  }
.LBB2_2:
0x30: {  	[sflag:s14] =	ssyncadd.s32 $0xFFFFC000  }
0x31: {  	s21 =	sadd.s32 $0x100, s21;
	s23 =	sadd.s32 $0x100, s23;
	s24 =	smov.u32 s22  }
0x32: {  	[tilespmem:s17], [sflag:$0x2] =	stream.indirect.gather [hbm4b:s1+s16], $0x80, s23, s16, $0xb8;
	[tilespmem:$0x1E800] =	vst v63  }
0x33: {  	p0 =	sne.s32 s22, $0x26;
	s22 =	sadd.s32 $0x2, s22;
	_ =	swait.ge [sflag:s18], $0x4000  }
0x34: {  	[sflag:s18] =	ssyncset.done $0x0  }
0x35: {  	[sflag:s18] =	ssyncadd.s32 $0xFFFFC000  }
0x36: {  	[spmem:s2] =	stream.indirect.scatter.add.f32 [tilespmem:s15], [sflag:$0x3], $0x80, s21, s16, $0xb8;
	[tilespmem:$0x1E800] =	vst v63  }
0x37: {  	s24 =	smin.u32 s24, $0x24;
	_ =	swait.ge [sflag:s14], $0x4000  }
0x38: {  	s24 =	sshll.u32 s24, $0x7;
	[sflag:s14] =	ssyncset.done $0x0  }
0x39: {  	s24 =	sadd.s32 $0x100, s24;
	[sflag:s14] =	ssyncadd.s32 $0xFFFFC000  }
0x3a: {  	[tilespmem:s15], [sflag:$0x1] =	stream.indirect.gather [hbm4b:s1+s16], $0x80, s24, s16, $0xb8;
	[tilespmem:$0x1E800] =	vst v63  }
0x3b: {  	_ =	swait.ge [sflag:s19], $0x4000  }
.Ltmp0:
0x3c: {  	[sflag:s19] =	ssyncset.done $0x0;
	(pc) =	sbr.rel @p0 .LBB2_2-.Ltmp0, $4  }
0x3d: {  	s24 =	sadd.s32 $0x80, s21;
	[sflag:s19] =	ssyncadd.s32 $0xFFFFC000  }
0x3e: {  	[spmem:s2] =	stream.indirect.scatter.add.f32 [tilespmem:s17], [sflag:$0x3], $0x80, s24, s16, $0xb8;
	[tilespmem:$0x1E800] =	vst v63  }
0x3f: {  	_ =	swait.ge [sflag:s14], $0x4000  }
0x40: {  	[sflag:s14] =	ssyncset.done $0x0  }
0x41: {  	[sflag:s14] =	ssyncadd.s32 $0xFFFFC000  }
0x42: {  	_ =	swait.ge [sflag:s18], $0x4000  }
0x43: {  	[sflag:s18] =	ssyncset.done $0x0  }
0x44: {  	s23 =	simm.s32 $0x0;
	[sflag:s18] =	ssyncadd.s32 $0xFFFFC000  }
0x45: {  	[tilespmem:s23], [sflag:$0x3] =	stream.linear.gather [hbm4b:s9+s23], $0x1400, $0x38;
	[tilespmem:$0x1E800] =	vst v63  }
0x46: {  	_ =	swait.ge [sflag:s14], $0x1400  }
0x47: {  	[sflag:s14] =	ssyncset.done $0x0  }
0x48: {  	s21 =	simm.s32 $0x1400;
	[sflag:s14] =	ssyncadd.s32 $0xFFFFEC00  }
0x49: {  	[tilespmem:s21], [sflag:$0x3] =	stream.linear.gather [hbm4b:s10+s23], $0x1400, $0x38;
	[tilespmem:$0x1E800] =	vst v63  }
0x4a: {  	_ =	swait.ge [sflag:s14], $0x1400  }
0x4b: {  	[sflag:s14] =	ssyncset.done $0x0  }
0x4c: {  	s22 =	simm.s32 $0x80;
	[sflag:s14] =	ssyncadd.s32 $0xFFFFEC00  }
0x4d: {  	[tilespmem:s15], [sflag:$0x1] =	stream.indirect.gather [hbm4b:s1+s22], $0x80, s23, s22, $0xb8;
	[tilespmem:$0x1E800] =	vst v63  }
0x4e: {  	_ = 	snop  }
0x4f: {  	[tilespmem:s17], [sflag:$0x2] =	stream.indirect.gather [hbm4b:s1+s16], $0x80, s22, s16, $0xb8;
	[tilespmem:$0x1E800] =	vst v63  }
0x50: {  	_ =	swait.ge [sflag:s18], $0x4000  }
0x51: {  	[sflag:s18] =	ssyncset.done $0x0  }
0x52: {  	[sflag:s18] =	ssyncadd.s32 $0xFFFFC000  }
0x53: {  	[spmem:s2] =	stream.indirect.scatter.add.f32 [tilespmem:s15], [sflag:$0x3], $0x80, s21, s16, $0xb8;
	[tilespmem:$0x1E800] =	vst v63  }
0x54: {  	s23 =	smin.u32 s23, $0x24;
	_ =	swait.ge [sflag:s14], $0x4000  }
0x55: {  	s23 =	sshll.u32 s23, $0x7;
	[sflag:s14] =	ssyncset.done $0x0  }
0x56: {  	s23 =	sadd.s32 $0x100, s23;
	[sflag:s14] =	ssyncadd.s32 $0xFFFFC000  }
0x57: {  	[tilespmem:s15], [sflag:$0x1] =	stream.indirect.gather [hbm4b:s1+s16], $0x80, s23, s16, $0xb8;
	[tilespmem:$0x1E800] =	vst v63  }
0x58: {  	_ =	swait.ge [sflag:s19], $0x4000  }
0x59: {  	[sflag:s19] =	ssyncset.done $0x0  }
0x5a: {  	s31 =	simm.s32 $0x1480;
	[sflag:s19] =	ssyncadd.s32 $0xFFFFC000  }
0x5b: {  	[spmem:s2] =	stream.indirect.scatter.add.f32 [tilespmem:s17], [sflag:$0x3], $0x80, s31, s16, $0xb8;
	[tilespmem:$0x1E800] =	vst v63  }
0x5c: {  	_ =	swait.ge [sflag:s14], $0x4000  }
0x5d: {  	s23 =	simm.s32 $0x2;
	[sflag:s14] =	ssyncset.done $0x0  }
.LBB2_4:
0x5e: {  	[sflag:s14] =	ssyncadd.s32 $0xFFFFC000  }
0x5f: {  	s21 =	sadd.s32 $0x100, s21;
	s22 =	sadd.s32 $0x100, s22;
	s24 =	smov.u32 s23  }
0x60: {  	[tilespmem:s17], [sflag:$0x2] =	stream.indirect.gather [hbm4b:s1+s16], $0x80, s22, s16, $0xb8;
	[tilespmem:$0x1E800] =	vst v63  }
0x61: {  	p0 =	sne.s32 s23, $0x26;
	s23 =	sadd.s32 $0x2, s23;
	_ =	swait.ge [sflag:s18], $0x4000  }
0x62: {  	[sflag:s18] =	ssyncset.done $0x0  }
0x63: {  	[sflag:s18] =	ssyncadd.s32 $0xFFFFC000  }
0x64: {  	[spmem:s2] =	stream.indirect.scatter.add.f32 [tilespmem:s15], [sflag:$0x3], $0x80, s21, s16, $0xb8;
	[tilespmem:$0x1E800] =	vst v63  }
0x65: {  	s24 =	smin.u32 s24, $0x24;
	_ =	swait.ge [sflag:s14], $0x4000  }
0x66: {  	s24 =	sshll.u32 s24, $0x7;
	[sflag:s14] =	ssyncset.done $0x0  }
0x67: {  	s24 =	sadd.s32 $0x100, s24;
	[sflag:s14] =	ssyncadd.s32 $0xFFFFC000  }
0x68: {  	[tilespmem:s15], [sflag:$0x1] =	stream.indirect.gather [hbm4b:s1+s16], $0x80, s24, s16, $0xb8;
	[tilespmem:$0x1E800] =	vst v63  }
0x69: {  	_ =	swait.ge [sflag:s19], $0x4000  }
.Ltmp1:
0x6a: {  	[sflag:s19] =	ssyncset.done $0x0;
	(pc) =	sbr.rel @p0 .LBB2_4-.Ltmp1, $4  }
0x6b: {  	s24 =	sadd.s32 $0x80, s21;
	[sflag:s19] =	ssyncadd.s32 $0xFFFFC000  }
0x6c: {  	[spmem:s2] =	stream.indirect.scatter.add.f32 [tilespmem:s17], [sflag:$0x3], $0x80, s24, s16, $0xb8;
	[tilespmem:$0x1E800] =	vst v63  }
0x6d: {  	_ =	swait.ge [sflag:s14], $0x4000  }
0x6e: {  	[sflag:s14] =	ssyncset.done $0x0  }
0x6f: {  	[sflag:s14] =	ssyncadd.s32 $0xFFFFC000  }
0x70: {  	_ =	swait.ge [sflag:s18], $0x4000  }
0x71: {  	s20 =	sadd.s32 $0x1, s20;
	[sflag:s18] =	ssyncset.done $0x0  }
0x72: {  	p0 =	sne.s32 s20, s12;
	[sflag:s18] =	ssyncadd.s32 $0xFFFFC000  }
.Ltmp2:
0x73: {  	[bflag:$0x0] =	sbarrier.arrive $0xFFFF;
	(pc) =	sbr.rel @p0 .LBB2_1-.Ltmp2, $4  }
0x74: {  	[hbm:s11], [sflag:s6] =	dma.local [spmem:s13], $0x2800  }
0x75: {  	_ =	swait.ge [sflag:s14], $0x2800  }
0x76: {  	[sflag:s14] =	ssyncset.done $0x0  }
0x77: {  	[sflag:s14] =	ssyncadd.s32 $0xFFFFD800  }
0x78: {  	_ =	sfence.sel $0x180000  }
0x79: {  	[bflag:$0x0] =	sbarrier.arrive $0xFFFF  }
0x7a: {  	p0 =	sne.s32 s3, $0x0;
	_ =	strace $0x9000004A  }
0x7b: {  	s0 =	sadd.s32 @!p0 $0x100000, s0;
	[bflag:$0x2] =	sbarrier.arrive $0xFFFF  }
0x7c: {  	[sflag:s0] =	ssyncadd.tile.s32 @!p0 $0x1;
	_ =	shalt  }
.Lfunc_end2:
_tile_overlayer_lowered:
.L_overlay_start_2:
0x7d: {  	(tag) =	ssettag $0x2  }
0x7e: {  	s0 =	rddreg [dreg:$0x0];
	s2 =	stileid.u32  }
0x7f: {  	s1 =	rddreg [dreg:$0x1];
	p0 =	sne.s32 s2, $0x0  }
0x80: {  	s3 =	rddreg [dreg:$0x2];
	[bflag:$0x3] =	sbarrier.arrive $0xFFFF;
	s2 =	simm.s32 @!p0 $0x1C03  }
0x81: {  	[timem:s3], [sflag:s2] =	dma.local @!p0 [hbm:s0], s1  }
0x82: {  	s0 =	simm.s32 @!p0 $0x3  }
0x83: {  	_ =	swait.ge @!p0 [sflag:s0], s1  }
0x84: {  	s1 =	ssub.s32 @!p0 $0x0, s1;
	[sflag:s0] =	ssyncset.done @!p0 $0x0  }
0x85: {  	[sflag:s0] =	ssyncadd.s32 @!p0 s1  }
0x86: {  	[bflag:$0x3] =	sbarrier.arrive $0xFFFF  }
0x87: {  	_ =	shalt  }

</sc_bundles>
